<compile_context>
chip_gen: v7x
topology: tpu7x:2x2x1
jax: 0.10.2.dev20260603
libtpu: 0.0.44.dev20260713+nightly
codegen_flags: <defaults>
</compile_context>

<pallas_src>
import functools

import jax
import jax.numpy as jnp
import numpy as np
from jax import lax
from jax.experimental import pallas as pl
from jax.experimental.pallas import tpu as pltpu
from jax.experimental.pallas import tpu_sc as plsc

D = 768
H = 1536
E = 8
T = 2048
K = 2

BT = 1024
NT = T // BT
BE = 512
NE = T // BE
BR = 512
NB_MAX = (T * K) // BR + E - 1
NBC = NB_MAX + 1
P = NBC * BR
EPS = float(np.finfo(np.float64).eps)

_SQRT1_2 = float(1.0 / np.sqrt(2.0))
D2 = D // 2


def _pack16(lo, hi):
    lo32 = lax.bitcast_convert_type(
        lo.astype(jnp.bfloat16).astype(jnp.float32), jnp.uint32) >> 16
    hi32 = lax.bitcast_convert_type(
        hi.astype(jnp.bfloat16).astype(jnp.float32), jnp.uint32) & jnp.uint32(0xFFFF0000)
    return lax.bitcast_convert_type(hi32 | lo32, jnp.float32)


def _unpack16(w):
    u = lax.bitcast_convert_type(w, jnp.uint32)
    hi = lax.bitcast_convert_type(u & jnp.uint32(0xFFFF0000), jnp.float32)
    lo = lax.bitcast_convert_type(u << 16, jnp.float32)
    return lo, hi



def _route_body(x_ref, c_ref, wg_ref, g_out, d0_out, d1_out, be_out, xp_out,
                nbt_out, carry_sc, pref_sc, e12g_sc, off_sc):
    i = pl.program_id(0)
    iota8 = lax.broadcasted_iota(jnp.int32, (BT, E), 1)

    @pl.when(i < NT)
    def _pass1():
        xb = x_ref[...]
        cb = c_ref[...]
        xp_out[...] = _pack16(xb[:, :D2], xb[:, D2:])
        logits = (jnp.dot(xb, wg_ref[:D, :], preferred_element_type=jnp.float32)
                  + jnp.dot(cb, wg_ref[D:, :], preferred_element_type=jnp.float32))
        m1 = jnp.max(logits, axis=1, keepdims=True)
        e1 = jnp.min(jnp.where(logits >= m1, iota8, E), axis=1, keepdims=True)
        oh1 = iota8 == e1
        neg = jnp.where(oh1, -jnp.inf, logits)
        m2 = jnp.max(neg, axis=1, keepdims=True)
        e2 = jnp.min(jnp.where(neg >= m2, iota8, E), axis=1, keepdims=True)
        oh2 = iota8 == e2
        g1 = jax.nn.sigmoid(m1 - m2)
        g2 = 1.0 - g1
        g_out[...] = jnp.concatenate([g1, g2], axis=1)

        onehot = oh1.astype(jnp.float32) + oh2.astype(jnp.float32)

        @pl.when(i == 0)
        def _():
            carry_sc[...] = jnp.zeros((1, E), jnp.float32)

        inc = onehot
        sh = 1
        while sh < BT:
            inc = inc + jnp.concatenate(
                [jnp.zeros((sh, E), jnp.float32), inc[:BT - sh]], axis=0)
            sh *= 2
        pref = (inc - onehot) + carry_sc[...]
        pref_sc[pl.ds(i * BT, BT), :] = pref
        e12g_sc[pl.ds(i * BT, BT), :] = jnp.concatenate(
            [e1.astype(jnp.float32), e2.astype(jnp.float32), g1, g2,
             jnp.zeros((BT, E - 4), jnp.float32)], axis=1)
        counts = carry_sc[...] + jnp.sum(onehot, axis=0, keepdims=True)
        carry_sc[...] = counts

        @pl.when(i == NT - 1)
        def _finalize():
            cblk = jnp.ceil(counts * (1.0 / BR))
            tr = lax.broadcasted_iota(jnp.int32, (E, E), 0)
            tc = lax.broadcasted_iota(jnp.int32, (E, E), 1)
            tri8 = (tr < tc).astype(jnp.float32)
            off_blk = jnp.dot(cblk, tri8, preferred_element_type=jnp.float32)
            off_sc[...] = off_blk * BR
            nb_tot = jnp.sum(cblk)
            iob = lax.broadcasted_iota(jnp.int32, (1, NBC), 1).astype(jnp.float32)
            acc = jnp.zeros((1, NBC), jnp.float32)
            for e in range(E):
                acc += (iob >= off_blk[0, e]).astype(jnp.float32)
            be_out[...] = (acc - 1.0).astype(jnp.int32)
            nbt_out[...] = jnp.full((1, 1), nb_tot, jnp.float32).astype(jnp.int32)

    @pl.when(i >= NT)
    def _pass2():
        j = i - NT
        pref = pref_sc[pl.ds(j * BT, BT), :]
        e12g = e12g_sc[pl.ds(j * BT, BT), :]
        e1 = e12g[:, 0:1].astype(jnp.int32)
        e2 = e12g[:, 1:2].astype(jnp.int32)
        off = off_sc[...]
        pos = off + pref
        oh1 = (iota8 == e1).astype(jnp.float32)
        oh2 = (iota8 == e2).astype(jnp.float32)
        d0 = jnp.sum(oh1 * pos, axis=1)
        d1 = jnp.sum(oh2 * pos, axis=1)
        d0_out[...] = d0.astype(jnp.int32)
        d1_out[...] = d1.astype(jnp.int32)


def _route(x, cond, w_gate):
    g, d0, d1, be, xp, nbt = pl.pallas_call(
        _route_body,
        grid=(2 * NT,),
        in_specs=[
            pl.BlockSpec((BT, D), lambda i: (jnp.minimum(i, NT - 1), 0)),
            pl.BlockSpec((BT, D), lambda i: (jnp.minimum(i, NT - 1), 0)),
            pl.BlockSpec((2 * D, E), lambda i: (0, 0)),
        ],
        out_specs=[
            pl.BlockSpec((BT, K), lambda i: (jnp.minimum(i, NT - 1), 0)),
            pl.BlockSpec((BT,), lambda i: (jnp.maximum(i - NT, 0),)),
            pl.BlockSpec((BT,), lambda i: (jnp.maximum(i - NT, 0),)),
            pl.BlockSpec((1, NBC), lambda i: (0, 0)),
            pl.BlockSpec((BT, D2), lambda i: (jnp.minimum(i, NT - 1), 0)),
            pl.BlockSpec((1, 1), lambda i: (0, 0)),
        ],
        out_shape=[
            jax.ShapeDtypeStruct((T, K), jnp.float32),
            jax.ShapeDtypeStruct((T,), jnp.int32),
            jax.ShapeDtypeStruct((T,), jnp.int32),
            jax.ShapeDtypeStruct((1, NBC), jnp.int32),
            jax.ShapeDtypeStruct((T, D2), jnp.float32),
            jax.ShapeDtypeStruct((1, 1), jnp.int32),
        ],
        scratch_shapes=[
            pltpu.VMEM((1, E), jnp.float32),
            pltpu.VMEM((T, E), jnp.float32),
            pltpu.VMEM((T, E), jnp.float32),
            pltpu.VMEM((1, E), jnp.float32),
        ],
        compiler_params=pltpu.CompilerParams(
            dimension_semantics=("arbitrary",),
        ),
    )(x, cond, w_gate)
    return g, d0, d1, be, xp, nbt



_NC = 2
_NS = 16
_NW = _NC * _NS
_CHUNK = T // _NW


@functools.lru_cache(maxsize=None)
def _make_dispatch():
    @functools.partial(
        pl.kernel,
        out_type=jax.ShapeDtypeStruct((P, D2), jnp.float32),
        mesh=plsc.VectorSubcoreMesh(core_axis_name="c", subcore_axis_name="s"),
        scratch_types=[
            pltpu.VMEM((_CHUNK,), jnp.int32),
            pltpu.VMEM((_CHUNK,), jnp.int32),
            pltpu.VMEM((_CHUNK, D2), jnp.float32),
            pltpu.SemaphoreType.DMA,
            pltpu.SemaphoreType.DMA,
        ],
    )
    def _dispatch(x_hbm, d0_hbm, d1_hbm, out_hbm, i0_v, i1_v, rows_v, s0, s1):
        wid = lax.axis_index("s") * _NC + lax.axis_index("c")
        base = wid * _CHUNK
        pltpu.sync_copy(d0_hbm.at[pl.ds(base, _CHUNK)], i0_v)
        pltpu.sync_copy(d1_hbm.at[pl.ds(base, _CHUNK)], i1_v)
        pltpu.sync_copy(x_hbm.at[pl.ds(base, _CHUNK)], rows_v)
        c0 = pltpu.async_copy(rows_v, out_hbm.at[i0_v], s0)
        c1 = pltpu.async_copy(rows_v, out_hbm.at[i1_v], s1)
        c0.wait()
        c1.wait()

    return _dispatch



def _ffn_body(be_ref, nbt_ref, x_ref, w1_ref, b1_ref, w2_ref, b2_ref, y_ref):
    b = pl.program_id(0)

    @pl.when(b < nbt_ref[0, 0])
    def _():
        xlo, xhi = _unpack16(x_ref[...])
        xb = jnp.concatenate([xlo, xhi], axis=1)
        h = (jnp.dot(xb, w1_ref[0], preferred_element_type=jnp.float32,
                     precision=lax.Precision.DEFAULT) + b1_ref[0])
        h = 0.5 * h * (1.0 + lax.erf(h * _SQRT1_2))
        o = (jnp.dot(h, w2_ref[0], preferred_element_type=jnp.float32,
                     precision=lax.Precision.DEFAULT) + b2_ref[0])
        y_ref[...] = _pack16(o[:, :D2], o[:, D2:])


def _ffn(be, nbt, x_sorted, fc1_w, fc1_b, fc2_w, fc2_b):
    grid_spec = pltpu.PrefetchScalarGridSpec(
        num_scalar_prefetch=2,
        grid=(NBC,),
        in_specs=[
            pl.BlockSpec((BR, D2),
                         lambda b, be, nbt: (jnp.minimum(b, nbt[0, 0] - 1), 0)),
            pl.BlockSpec((1, D, H), lambda b, be, nbt: (be[0, b], 0, 0)),
            pl.BlockSpec((1, 1, H), lambda b, be, nbt: (be[0, b], 0, 0)),
            pl.BlockSpec((1, H, D), lambda b, be, nbt: (be[0, b], 0, 0)),
            pl.BlockSpec((1, 1, D), lambda b, be, nbt: (be[0, b], 0, 0)),
        ],
        out_specs=pl.BlockSpec(
            (BR, D2),
            lambda b, be, nbt: (jnp.where(b < nbt[0, 0], b, NBC - 1), 0)),
    )
    return pl.pallas_call(
        _ffn_body,
        grid_spec=grid_spec,
        out_shape=jax.ShapeDtypeStruct((P, D2), jnp.float32),
        compiler_params=pltpu.CompilerParams(
            dimension_semantics=("arbitrary",),
        ),
    )(be, nbt, x_sorted, fc1_w, fc1_b.reshape(E, 1, H), fc2_w,
      fc2_b.reshape(E, 1, D))



@functools.lru_cache(maxsize=None)
def _make_combine_gather():
    @functools.partial(
        pl.kernel,
        out_type=(jax.ShapeDtypeStruct((T, D2), jnp.float32),
                  jax.ShapeDtypeStruct((T, D2), jnp.float32)),
        mesh=plsc.VectorSubcoreMesh(core_axis_name="c", subcore_axis_name="s"),
        scratch_types=[
            pltpu.VMEM((_CHUNK,), jnp.int32),
            pltpu.VMEM((_CHUNK,), jnp.int32),
            pltpu.VMEM((_CHUNK, D2), jnp.float32),
            pltpu.VMEM((_CHUNK, D2), jnp.float32),
            pltpu.SemaphoreType.DMA,
            pltpu.SemaphoreType.DMA,
        ],
    )
    def _combine_gather(y_hbm, d0_hbm, d1_hbm, a_hbm, b_hbm,
                        i0_v, i1_v, ra_v, rb_v, s0, s1):
        wid = lax.axis_index("s") * _NC + lax.axis_index("c")
        base = wid * _CHUNK
        pltpu.sync_copy(d0_hbm.at[pl.ds(base, _CHUNK)], i0_v)
        pltpu.sync_copy(d1_hbm.at[pl.ds(base, _CHUNK)], i1_v)
        c0 = pltpu.async_copy(y_hbm.at[i0_v], ra_v, s0)
        c1 = pltpu.async_copy(y_hbm.at[i1_v], rb_v, s1)
        c0.wait()
        pltpu.sync_copy(ra_v, a_hbm.at[pl.ds(base, _CHUNK)])
        c1.wait()
        pltpu.sync_copy(rb_v, b_hbm.at[pl.ds(base, _CHUNK)])

    return _combine_gather



def _epilogue_body(a_ref, b_ref, g_ref, o_ref):
    alo, ahi = _unpack16(a_ref[...])
    blo, bhi = _unpack16(b_ref[...])
    g0 = g_ref[:, 0:1]
    g1 = g_ref[:, 1:2]
    clo = g0 * jnp.exp(alo) + g1 * jnp.exp(blo)
    chi = g0 * jnp.exp(ahi) + g1 * jnp.exp(bhi)
    o_ref[:, :D2] = jnp.log(jnp.where(clo == 0.0, EPS, clo))
    o_ref[:, D2:] = jnp.log(jnp.where(chi == 0.0, EPS, chi))


def _epilogue(a, b, g):
    return pl.pallas_call(
        _epilogue_body,
        grid=(NE,),
        in_specs=[
            pl.BlockSpec((BE, D2), lambda i: (i, 0)),
            pl.BlockSpec((BE, D2), lambda i: (i, 0)),
            pl.BlockSpec((BE, K), lambda i: (i, 0)),
        ],
        out_specs=pl.BlockSpec((BE, D), lambda i: (i, 0)),
        out_shape=jax.ShapeDtypeStruct((T, D), jnp.float32),
        compiler_params=pltpu.CompilerParams(
            dimension_semantics=("parallel",),
        ),
    )(a, b, g)


@jax.jit
def kernel(x, cond, w_gate, fc1_w, fc1_b, fc2_w, fc2_b):
    g, d0, d1, be, xp, nbt = _route(x, cond, w_gate)
    x_sorted = _make_dispatch()(xp, d0, d1)
    y_sorted = _ffn(be, nbt, x_sorted, fc1_w, fc1_b, fc2_w, fc2_b)
    a, b = _make_combine_gather()(y_sorted, d0, d1)
    return _epilogue(a, b, g)

# --- scband reference (transcript-rebuilt; emitter-appended) ---
"""Pipeline reference for scband-mo-e-11098195493463 (READ-ONLY COPY).

The authoritative reference and input builder live on the scoring server;
editing this copy changes nothing except your own understanding.
"""

import jax, jax.numpy as jnp
import numpy as np

D = 768
H = 1536
E = 8
T = 2048
K = 2

def setup_inputs(seed: int = 0):
    key = jax.random.key(seed)
    ks = jax.random.split(key, 8)
    x = jax.random.normal(ks[0], (T, D), dtype=jnp.float32)
    cond = jax.random.normal(ks[1], (T, D), dtype=jnp.float32)
    w_gate = jax.random.normal(ks[2], (2 * D, E), dtype=jnp.float32) * 0.02
    fc1_w = jax.random.normal(ks[3], (E, D, H), dtype=jnp.float32) * 0.02
    fc1_b = jnp.zeros((E, H), dtype=jnp.float32)
    fc2_w = jax.random.normal(ks[4], (E, H, D), dtype=jnp.float32) * 0.02
    fc2_b = jnp.zeros((E, D), dtype=jnp.float32)
    return {"x": x, "cond": cond, "w_gate": w_gate, "fc1_w": fc1_w, "fc1_b": fc1_b, "fc2_w": fc2_w, "fc2_b": fc2_b}

def reference(x, cond, w_gate, fc1_w, fc1_b, fc2_w, fc2_b):
    # Noisy top-k gating (eval path: clean logits; noise disabled as in train=False).
    # Gate input is the concatenation [x, cond] matching w_gate of shape [2*input_size, num_experts].
    gate_inp = jnp.concatenate([x, cond], axis=1)
    logits = gate_inp @ w_gate
    top_logits, top_idx = jax.lax.top_k(logits, K)
    top_gates = jax.nn.softmax(top_logits, axis=1)
    gates = jnp.zeros_like(logits).at[jnp.arange(T)[:, None], top_idx].set(top_gates)
    # Experts: Mlp(fc1 -> GELU(exact) -> fc2). SparseDispatcher.combine does a
    # gate-weighted log-sum-exp: combined[b] = log(sum_e gates[b,e] * exp(out_e[b])).
    combined = jnp.zeros((T, D), dtype=jnp.float32)
    for e in range(E):
        h = x @ fc1_w[e] + fc1_b[e]
        h = jax.nn.gelu(h, approximate=False)
        out_e = h @ fc2_w[e] + fc2_b[e]
        combined = combined + gates[:, e:e + 1] * jnp.exp(out_e)
    eps = np.finfo(float).eps
    combined = jnp.where(combined == 0, eps, combined)
    return jnp.log(combined)

if __name__ == "__main__":
    import jax
    _d = setup_inputs()
    print(jax.jit(kernel)(*tuple(_d.values())))

</pallas_src>

<mosaic_0001>
#map = affine_map<(d0, d1) -> (0, 0)>
#map1 = affine_map<(d0, d1) -> (0)>
module attributes {stable_mosaic.version = 14 : i64} {
  func.func @_combine_gather(%arg0: i32, %arg1: i32, %arg2: memref<8192x384xf32, #tpu.memory_space<hbm>>, %arg3: memref<2048xi32, #tpu.memory_space<hbm>>, %arg4: memref<2048xi32, #tpu.memory_space<hbm>>, %arg5: memref<2048x384xf32, #tpu.memory_space<hbm>>, %arg6: memref<2048x384xf32, #tpu.memory_space<hbm>>, %arg7: memref<64xi32, #tpu.memory_space<vmem>>, %arg8: memref<64xi32, #tpu.memory_space<vmem>>, %arg9: memref<64x384xf32, #tpu.memory_space<vmem>>, %arg10: memref<64x384xf32, #tpu.memory_space<vmem>>, %arg11: memref<!tpu.dma_semaphore, #tpu.memory_space<semaphore_mem>>, %arg12: memref<!tpu.dma_semaphore, #tpu.memory_space<semaphore_mem>>) attributes {dimension_semantics = [#tpu.dimension_semantics<core_parallel>, #tpu.dimension_semantics<subcore_parallel>], iteration_bounds = array<i64: 2, 16>, scalar_prefetch = 0 : i64, scratch_operands = 6 : i64, tpu.core_type = #tpu.core_type<sc_vector_subcore>, window_params = [{transform_indices = #map}, {transform_indices = #map1}, {transform_indices = #map1}, {transform_indices = #map}, {transform_indices = #map}]} {
    %mul3A = arith.constant 2 : i32
    %mul3A_0 = arith.muli %arg1, %mul3A : i32
    %add3A = arith.addi %mul3A_0, %arg0 : i32
    %mul3A_1 = arith.constant 64 : i32
    %mul3A_2 = arith.muli %add3A, %mul3A_1 : i32
    "tpu.region"() ({
      %run_scoped3A = tpu.sem_alloc : memref<!tpu.dma_semaphore, #tpu.memory_space<semaphore_mem>>
      %dma_start3A_13 = tpu.memref_slice %arg3[%mul3A_2] : memref<2048xi32, #tpu.memory_space<hbm>> -> memref<64xi32, #tpu.memory_space<hbm>>
      %dma_start3A_14 = tpu.memref_slice %arg3[%mul3A_2] : memref<2048xi32, #tpu.memory_space<hbm>> -> memref<64xi32, #tpu.memory_space<hbm>>
      tpu.enqueue_dma source(%dma_start3A_14 : memref<64xi32, #tpu.memory_space<hbm>>) target(%arg7 : memref<64xi32, #tpu.memory_space<vmem>>) target_semaphore(%run_scoped3A : memref<!tpu.dma_semaphore, #tpu.memory_space<semaphore_mem>>)
      %dma_wait3A_15 = tpu.memref_slice %arg3[%mul3A_2] : memref<2048xi32, #tpu.memory_space<hbm>> -> memref<64xi32, #tpu.memory_space<hbm>>
      %dma_wait3A_16 = tpu.memref_slice %arg3[%mul3A_2] : memref<2048xi32, #tpu.memory_space<hbm>> -> memref<64xi32, #tpu.memory_space<hbm>>
      tpu.wait_dma2 semaphore(%run_scoped3A : memref<!tpu.dma_semaphore, #tpu.memory_space<semaphore_mem>>) src(%dma_wait3A_16 : memref<64xi32, #tpu.memory_space<hbm>>) dst(%arg7 : memref<64xi32, #tpu.memory_space<vmem>>)
      tpu.yield
    }) : () -> ()
    "tpu.region"() ({
      %run_scoped3A = tpu.sem_alloc : memref<!tpu.dma_semaphore, #tpu.memory_space<semaphore_mem>>
      %dma_start3A_13 = tpu.memref_slice %arg4[%mul3A_2] : memref<2048xi32, #tpu.memory_space<hbm>> -> memref<64xi32, #tpu.memory_space<hbm>>
      %dma_start3A_14 = tpu.memref_slice %arg4[%mul3A_2] : memref<2048xi32, #tpu.memory_space<hbm>> -> memref<64xi32, #tpu.memory_space<hbm>>
      tpu.enqueue_dma source(%dma_start3A_14 : memref<64xi32, #tpu.memory_space<hbm>>) target(%arg8 : memref<64xi32, #tpu.memory_space<vmem>>) target_semaphore(%run_scoped3A : memref<!tpu.dma_semaphore, #tpu.memory_space<semaphore_mem>>)
      %dma_wait3A_15 = tpu.memref_slice %arg4[%mul3A_2] : memref<2048xi32, #tpu.memory_space<hbm>> -> memref<64xi32, #tpu.memory_space<hbm>>
      %dma_wait3A_16 = tpu.memref_slice %arg4[%mul3A_2] : memref<2048xi32, #tpu.memory_space<hbm>> -> memref<64xi32, #tpu.memory_space<hbm>>
      tpu.wait_dma2 semaphore(%run_scoped3A : memref<!tpu.dma_semaphore, #tpu.memory_space<semaphore_mem>>) src(%dma_wait3A_16 : memref<64xi32, #tpu.memory_space<hbm>>) dst(%arg8 : memref<64xi32, #tpu.memory_space<vmem>>)
      tpu.yield
    }) : () -> ()
    %dma_start3A = arith.constant 0 : i32
    %dma_start3A_3 = arith.constant 0 : i32
    %dma_start3A_4 = tpu.memref_slice %arg2[%dma_start3A, %dma_start3A_3] : memref<8192x384xf32, #tpu.memory_space<hbm>> -> memref<8192x384xf32, #tpu.memory_space<hbm>>
    tpu.enqueue_indirect_dma source(%dma_start3A_4 : memref<8192x384xf32, #tpu.memory_space<hbm>>) target(%arg9 : memref<64x384xf32, #tpu.memory_space<vmem>>) offsets(%arg7 : memref<64xi32, #tpu.memory_space<vmem>>) semaphore(%arg11 : memref<!tpu.dma_semaphore, #tpu.memory_space<semaphore_mem>>)
    %dma_start3A_5 = arith.constant 0 : i32
    %dma_start3A_6 = arith.constant 0 : i32
    %dma_start3A_7 = tpu.memref_slice %arg2[%dma_start3A_5, %dma_start3A_6] : memref<8192x384xf32, #tpu.memory_space<hbm>> -> memref<8192x384xf32, #tpu.memory_space<hbm>>
    tpu.enqueue_indirect_dma source(%dma_start3A_7 : memref<8192x384xf32, #tpu.memory_space<hbm>>) target(%arg10 : memref<64x384xf32, #tpu.memory_space<vmem>>) offsets(%arg8 : memref<64xi32, #tpu.memory_space<vmem>>) semaphore(%arg12 : memref<!tpu.dma_semaphore, #tpu.memory_space<semaphore_mem>>)
    %dma_wait3A = arith.constant 0 : i32
    %dma_wait3A_8 = arith.constant 0 : i32
    %dma_wait3A_9 = tpu.memref_slice %arg2[%dma_wait3A, %dma_wait3A_8] : memref<8192x384xf32, #tpu.memory_space<hbm>> -> memref<8192x384xf32, #tpu.memory_space<hbm>>
    tpu.wait_indirect_dma semaphore(%arg11 : memref<!tpu.dma_semaphore, #tpu.memory_space<semaphore_mem>>) src(%dma_wait3A_9 : memref<8192x384xf32, #tpu.memory_space<hbm>>) dst(%arg9 : memref<64x384xf32, #tpu.memory_space<vmem>>)
    "tpu.region"() ({
      %run_scoped3A = tpu.sem_alloc : memref<!tpu.dma_semaphore, #tpu.memory_space<semaphore_mem>>
      %dma_start3A_13 = arith.constant 0 : i32
      %dma_start3A_14 = tpu.memref_slice %arg5[%mul3A_2, %dma_start3A_13] : memref<2048x384xf32, #tpu.memory_space<hbm>> -> memref<64x384xf32, #tpu.memory_space<hbm>>
      %dma_start3A_15 = arith.constant 0 : i32
      %dma_start3A_16 = tpu.memref_slice %arg5[%mul3A_2, %dma_start3A_15] : memref<2048x384xf32, #tpu.memory_space<hbm>> -> memref<64x384xf32, #tpu.memory_space<hbm>>
      tpu.enqueue_dma source(%arg9 : memref<64x384xf32, #tpu.memory_space<vmem>>) target(%dma_start3A_16 : memref<64x384xf32, #tpu.memory_space<hbm>>) target_semaphore(%run_scoped3A : memref<!tpu.dma_semaphore, #tpu.memory_space<semaphore_mem>>)
      %dma_wait3A_17 = arith.constant 0 : i32
      %dma_wait3A_18 = tpu.memref_slice %arg5[%mul3A_2, %dma_wait3A_17] : memref<2048x384xf32, #tpu.memory_space<hbm>> -> memref<64x384xf32, #tpu.memory_space<hbm>>
      %dma_wait3A_19 = arith.constant 0 : i32
      %dma_wait3A_20 = tpu.memref_slice %arg5[%mul3A_2, %dma_wait3A_19] : memref<2048x384xf32, #tpu.memory_space<hbm>> -> memref<64x384xf32, #tpu.memory_space<hbm>>
      tpu.wait_dma2 semaphore(%run_scoped3A : memref<!tpu.dma_semaphore, #tpu.memory_space<semaphore_mem>>) src(%arg9 : memref<64x384xf32, #tpu.memory_space<vmem>>) dst(%dma_wait3A_20 : memref<64x384xf32, #tpu.memory_space<hbm>>)
      tpu.yield
    }) : () -> ()
    %dma_wait3A_10 = arith.constant 0 : i32
    %dma_wait3A_11 = arith.constant 0 : i32
    %dma_wait3A_12 = tpu.memref_slice %arg2[%dma_wait3A_10, %dma_wait3A_11] : memref<8192x384xf32, #tpu.memory_space<hbm>> -> memref<8192x384xf32, #tpu.memory_space<hbm>>
    tpu.wait_indirect_dma semaphore(%arg12 : memref<!tpu.dma_semaphore, #tpu.memory_space<semaphore_mem>>) src(%dma_wait3A_12 : memref<8192x384xf32, #tpu.memory_space<hbm>>) dst(%arg10 : memref<64x384xf32, #tpu.memory_space<vmem>>)
    "tpu.region"() ({
      %run_scoped3A = tpu.sem_alloc : memref<!tpu.dma_semaphore, #tpu.memory_space<semaphore_mem>>
      %dma_start3A_13 = arith.constant 0 : i32
      %dma_start3A_14 = tpu.memref_slice %arg6[%mul3A_2, %dma_start3A_13] : memref<2048x384xf32, #tpu.memory_space<hbm>> -> memref<64x384xf32, #tpu.memory_space<hbm>>
      %dma_start3A_15 = arith.constant 0 : i32
      %dma_start3A_16 = tpu.memref_slice %arg6[%mul3A_2, %dma_start3A_15] : memref<2048x384xf32, #tpu.memory_space<hbm>> -> memref<64x384xf32, #tpu.memory_space<hbm>>
      tpu.enqueue_dma source(%arg10 : memref<64x384xf32, #tpu.memory_space<vmem>>) target(%dma_start3A_16 : memref<64x384xf32, #tpu.memory_space<hbm>>) target_semaphore(%run_scoped3A : memref<!tpu.dma_semaphore, #tpu.memory_space<semaphore_mem>>)
      %dma_wait3A_17 = arith.constant 0 : i32
      %dma_wait3A_18 = tpu.memref_slice %arg6[%mul3A_2, %dma_wait3A_17] : memref<2048x384xf32, #tpu.memory_space<hbm>> -> memref<64x384xf32, #tpu.memory_space<hbm>>
      %dma_wait3A_19 = arith.constant 0 : i32
      %dma_wait3A_20 = tpu.memref_slice %arg6[%mul3A_2, %dma_wait3A_19] : memref<2048x384xf32, #tpu.memory_space<hbm>> -> memref<64x384xf32, #tpu.memory_space<hbm>>
      tpu.wait_dma2 semaphore(%run_scoped3A : memref<!tpu.dma_semaphore, #tpu.memory_space<semaphore_mem>>) src(%arg10 : memref<64x384xf32, #tpu.memory_space<vmem>>) dst(%dma_wait3A_20 : memref<64x384xf32, #tpu.memory_space<hbm>>)
      tpu.yield
    }) : () -> ()
    return
  }
}

#map = affine_map<(d0, d1) -> (0, 0)>
#map1 = affine_map<(d0, d1) -> (0)>
module attributes {stable_mosaic.version = 14 : i64} {
  func.func @_dispatch(%arg0: i32, %arg1: i32, %arg2: memref<2048x384xf32, #tpu.memory_space<hbm>>, %arg3: memref<2048xi32, #tpu.memory_space<hbm>>, %arg4: memref<2048xi32, #tpu.memory_space<hbm>>, %arg5: memref<8192x384xf32, #tpu.memory_space<hbm>>, %arg6: memref<64xi32, #tpu.memory_space<vmem>>, %arg7: memref<64xi32, #tpu.memory_space<vmem>>, %arg8: memref<64x384xf32, #tpu.memory_space<vmem>>, %arg9: memref<!tpu.dma_semaphore, #tpu.memory_space<semaphore_mem>>, %arg10: memref<!tpu.dma_semaphore, #tpu.memory_space<semaphore_mem>>) attributes {dimension_semantics = [#tpu.dimension_semantics<core_parallel>, #tpu.dimension_semantics<subcore_parallel>], iteration_bounds = array<i64: 2, 16>, scalar_prefetch = 0 : i64, scratch_operands = 5 : i64, tpu.core_type = #tpu.core_type<sc_vector_subcore>, window_params = [{transform_indices = #map}, {transform_indices = #map1}, {transform_indices = #map1}, {transform_indices = #map}]} {
    %mul3A = arith.constant 2 : i32
    %mul3A_0 = arith.muli %arg1, %mul3A : i32
    %add3A = arith.addi %mul3A_0, %arg0 : i32
    %mul3A_1 = arith.constant 64 : i32
    %mul3A_2 = arith.muli %add3A, %mul3A_1 : i32
    "tpu.region"() ({
      %run_scoped3A = tpu.sem_alloc : memref<!tpu.dma_semaphore, #tpu.memory_space<semaphore_mem>>
      %dma_start3A_13 = tpu.memref_slice %arg3[%mul3A_2] : memref<2048xi32, #tpu.memory_space<hbm>> -> memref<64xi32, #tpu.memory_space<hbm>>
      %dma_start3A_14 = tpu.memref_slice %arg3[%mul3A_2] : memref<2048xi32, #tpu.memory_space<hbm>> -> memref<64xi32, #tpu.memory_space<hbm>>
      tpu.enqueue_dma source(%dma_start3A_14 : memref<64xi32, #tpu.memory_space<hbm>>) target(%arg6 : memref<64xi32, #tpu.memory_space<vmem>>) target_semaphore(%run_scoped3A : memref<!tpu.dma_semaphore, #tpu.memory_space<semaphore_mem>>)
      %dma_wait3A_15 = tpu.memref_slice %arg3[%mul3A_2] : memref<2048xi32, #tpu.memory_space<hbm>> -> memref<64xi32, #tpu.memory_space<hbm>>
      %dma_wait3A_16 = tpu.memref_slice %arg3[%mul3A_2] : memref<2048xi32, #tpu.memory_space<hbm>> -> memref<64xi32, #tpu.memory_space<hbm>>
      tpu.wait_dma2 semaphore(%run_scoped3A : memref<!tpu.dma_semaphore, #tpu.memory_space<semaphore_mem>>) src(%dma_wait3A_16 : memref<64xi32, #tpu.memory_space<hbm>>) dst(%arg6 : memref<64xi32, #tpu.memory_space<vmem>>)
      tpu.yield
    }) : () -> ()
    "tpu.region"() ({
      %run_scoped3A = tpu.sem_alloc : memref<!tpu.dma_semaphore, #tpu.memory_space<semaphore_mem>>
      %dma_start3A_13 = tpu.memref_slice %arg4[%mul3A_2] : memref<2048xi32, #tpu.memory_space<hbm>> -> memref<64xi32, #tpu.memory_space<hbm>>
      %dma_start3A_14 = tpu.memref_slice %arg4[%mul3A_2] : memref<2048xi32, #tpu.memory_space<hbm>> -> memref<64xi32, #tpu.memory_space<hbm>>
      tpu.enqueue_dma source(%dma_start3A_14 : memref<64xi32, #tpu.memory_space<hbm>>) target(%arg7 : memref<64xi32, #tpu.memory_space<vmem>>) target_semaphore(%run_scoped3A : memref<!tpu.dma_semaphore, #tpu.memory_space<semaphore_mem>>)
      %dma_wait3A_15 = tpu.memref_slice %arg4[%mul3A_2] : memref<2048xi32, #tpu.memory_space<hbm>> -> memref<64xi32, #tpu.memory_space<hbm>>
      %dma_wait3A_16 = tpu.memref_slice %arg4[%mul3A_2] : memref<2048xi32, #tpu.memory_space<hbm>> -> memref<64xi32, #tpu.memory_space<hbm>>
      tpu.wait_dma2 semaphore(%run_scoped3A : memref<!tpu.dma_semaphore, #tpu.memory_space<semaphore_mem>>) src(%dma_wait3A_16 : memref<64xi32, #tpu.memory_space<hbm>>) dst(%arg7 : memref<64xi32, #tpu.memory_space<vmem>>)
      tpu.yield
    }) : () -> ()
    "tpu.region"() ({
      %run_scoped3A = tpu.sem_alloc : memref<!tpu.dma_semaphore, #tpu.memory_space<semaphore_mem>>
      %dma_start3A_13 = arith.constant 0 : i32
      %dma_start3A_14 = tpu.memref_slice %arg2[%mul3A_2, %dma_start3A_13] : memref<2048x384xf32, #tpu.memory_space<hbm>> -> memref<64x384xf32, #tpu.memory_space<hbm>>
      %dma_start3A_15 = arith.constant 0 : i32
      %dma_start3A_16 = tpu.memref_slice %arg2[%mul3A_2, %dma_start3A_15] : memref<2048x384xf32, #tpu.memory_space<hbm>> -> memref<64x384xf32, #tpu.memory_space<hbm>>
      tpu.enqueue_dma source(%dma_start3A_16 : memref<64x384xf32, #tpu.memory_space<hbm>>) target(%arg8 : memref<64x384xf32, #tpu.memory_space<vmem>>) target_semaphore(%run_scoped3A : memref<!tpu.dma_semaphore, #tpu.memory_space<semaphore_mem>>)
      %dma_wait3A_17 = arith.constant 0 : i32
      %dma_wait3A_18 = tpu.memref_slice %arg2[%mul3A_2, %dma_wait3A_17] : memref<2048x384xf32, #tpu.memory_space<hbm>> -> memref<64x384xf32, #tpu.memory_space<hbm>>
      %dma_wait3A_19 = arith.constant 0 : i32
      %dma_wait3A_20 = tpu.memref_slice %arg2[%mul3A_2, %dma_wait3A_19] : memref<2048x384xf32, #tpu.memory_space<hbm>> -> memref<64x384xf32, #tpu.memory_space<hbm>>
      tpu.wait_dma2 semaphore(%run_scoped3A : memref<!tpu.dma_semaphore, #tpu.memory_space<semaphore_mem>>) src(%dma_wait3A_20 : memref<64x384xf32, #tpu.memory_space<hbm>>) dst(%arg8 : memref<64x384xf32, #tpu.memory_space<vmem>>)
      tpu.yield
    }) : () -> ()
    %dma_start3A = arith.constant 0 : i32
    %dma_start3A_3 = arith.constant 0 : i32
    %dma_start3A_4 = tpu.memref_slice %arg5[%dma_start3A, %dma_start3A_3] : memref<8192x384xf32, #tpu.memory_space<hbm>> -> memref<8192x384xf32, #tpu.memory_space<hbm>>
    tpu.enqueue_indirect_dma source(%arg8 : memref<64x384xf32, #tpu.memory_space<vmem>>) target(%dma_start3A_4 : memref<8192x384xf32, #tpu.memory_space<hbm>>) offsets(%arg6 : memref<64xi32, #tpu.memory_space<vmem>>) semaphore(%arg9 : memref<!tpu.dma_semaphore, #tpu.memory_space<semaphore_mem>>)
    %dma_start3A_5 = arith.constant 0 : i32
    %dma_start3A_6 = arith.constant 0 : i32
    %dma_start3A_7 = tpu.memref_slice %arg5[%dma_start3A_5, %dma_start3A_6] : memref<8192x384xf32, #tpu.memory_space<hbm>> -> memref<8192x384xf32, #tpu.memory_space<hbm>>
    tpu.enqueue_indirect_dma source(%arg8 : memref<64x384xf32, #tpu.memory_space<vmem>>) target(%dma_start3A_7 : memref<8192x384xf32, #tpu.memory_space<hbm>>) offsets(%arg7 : memref<64xi32, #tpu.memory_space<vmem>>) semaphore(%arg10 : memref<!tpu.dma_semaphore, #tpu.memory_space<semaphore_mem>>)
    %dma_wait3A = arith.constant 0 : i32
    %dma_wait3A_8 = arith.constant 0 : i32
    %dma_wait3A_9 = tpu.memref_slice %arg5[%dma_wait3A, %dma_wait3A_8] : memref<8192x384xf32, #tpu.memory_space<hbm>> -> memref<8192x384xf32, #tpu.memory_space<hbm>>
    tpu.wait_indirect_dma semaphore(%arg9 : memref<!tpu.dma_semaphore, #tpu.memory_space<semaphore_mem>>) src(%arg8 : memref<64x384xf32, #tpu.memory_space<vmem>>) dst(%dma_wait3A_9 : memref<8192x384xf32, #tpu.memory_space<hbm>>)
    %dma_wait3A_10 = arith.constant 0 : i32
    %dma_wait3A_11 = arith.constant 0 : i32
    %dma_wait3A_12 = tpu.memref_slice %arg5[%dma_wait3A_10, %dma_wait3A_11] : memref<8192x384xf32, #tpu.memory_space<hbm>> -> memref<8192x384xf32, #tpu.memory_space<hbm>>
    tpu.wait_indirect_dma semaphore(%arg10 : memref<!tpu.dma_semaphore, #tpu.memory_space<semaphore_mem>>) src(%arg8 : memref<64x384xf32, #tpu.memory_space<vmem>>) dst(%dma_wait3A_12 : memref<8192x384xf32, #tpu.memory_space<hbm>>)
    return
  }
}

module attributes {stable_mosaic.version = 14 : i64} {
  func.func @_ffn_body(%arg0: i32, %arg1: memref<1x16xi32, #tpu.memory_space<smem>>, %arg2: memref<1x1xi32, #tpu.memory_space<smem>>, %arg3: memref<512x384xf32, #tpu.memory_space<vmem>>, %arg4: memref<1x768x1536xf32, #tpu.memory_space<vmem>>, %arg5: memref<1x1x1536xf32, #tpu.memory_space<vmem>>, %arg6: memref<1x1536x768xf32, #tpu.memory_space<vmem>>, %arg7: memref<1x1x768xf32, #tpu.memory_space<vmem>>, %arg8: memref<512x384xf32, #tpu.memory_space<vmem>>) attributes {dimension_semantics = [#tpu.dimension_semantics<arbitrary>], iteration_bounds = array<i64: 16>, scalar_prefetch = 2 : i64, scratch_operands = 0 : i64, tpu.core_type = #tpu.core_type<tc>, window_params = [{transform_indices = @transform_0, window_bounds = array<i64: 512, 384>}, {transform_indices = @transform_1, window_bounds = array<i64: 1, 768, 1536>}, {transform_indices = @transform_2, window_bounds = array<i64: 1, 1, 1536>}, {transform_indices = @transform_3, window_bounds = array<i64: 1, 1536, 768>}, {transform_indices = @transform_4, window_bounds = array<i64: 1, 1, 768>}, {transform_indices = @transform_5, window_bounds = array<i64: 512, 384>}]} {
    %get3A = arith.constant 0 : index
    %get3A_0 = arith.constant 0 : index
    %get3A_1 = memref.load %arg2[%get3A, %get3A_0] : memref<1x1xi32, #tpu.memory_space<smem>>
    %lt3A = arith.cmpi slt, %arg0, %get3A_1 : i32
    %convert_element_type3A = arith.extui %lt3A : i1 to i32
    %cond3A = arith.constant 0 : i32
    %cond3A_2 = arith.cmpi ne, %convert_element_type3A, %cond3A : i32
    scf.if %cond3A_2 {
      %get3A_3 = arith.constant 0 : index
      %get3A_4 = arith.constant 0 : index
      %get3A_5 = vector.load %arg3[%get3A_3, %get3A_4] : memref<512x384xf32, #tpu.memory_space<vmem>>, vector<512x384xf32>
      %bitcast_convert_type3A = tpu.bitcast %get3A_5 : vector<512x384xf32> -> vector<512x384xi32>
      %and3A = arith.constant -65536 : i32
      %and3A_6 = vector.broadcast %and3A : i32 to vector<512x384xi32>
      %and3A_7 = arith.andi %bitcast_convert_type3A, %and3A_6 : vector<512x384xi32>
      %bitcast_convert_type3A_8 = tpu.bitcast %and3A_7 : vector<512x384xi32> -> vector<512x384xf32>
      %shift_left3A = arith.constant 16 : i32
      %shift_left3A_9 = vector.broadcast %shift_left3A : i32 to vector<512x384xi32>
      %shift_left3A_10 = arith.shli %bitcast_convert_type3A, %shift_left3A_9 : vector<512x384xi32>
      %bitcast_convert_type3A_11 = tpu.bitcast %shift_left3A_10 : vector<512x384xi32> -> vector<512x384xf32>
      %concatenate3A = tpu.concatenate %bitcast_convert_type3A_11, %bitcast_convert_type3A_8 in 1 : vector<512x384xf32>, vector<512x384xf32> -> vector<512x768xf32>
      %get3A_12 = arith.constant 0 : index
      %get3A_13 = arith.constant 0 : index
      %get3A_14 = arith.constant 0 : index
      %get3A_15 = vector.load %arg4[%get3A_12, %get3A_13, %get3A_14] : memref<1x768x1536xf32, #tpu.memory_space<vmem>>, vector<1x768x1536xf32>
      %get3A_16 = vector.shape_cast %get3A_15 : vector<1x768x1536xf32> to vector<768x1536xf32>
      %dot_general3A = arith.constant dense<0.000000e+00> : vector<512x1536xf32>
      %dot_general3A_17 = tpu.matmul %concatenate3A, %get3A_16, %dot_general3A {dimension_numbers = #tpu.dot_dimension_numbers<[1], [0], [0], [1], [0, 0, 1, 1], [], []>, transpose_lhs_hint = false} : vector<512x768xf32>, vector<768x1536xf32>, vector<512x1536xf32> -> vector<512x1536xf32>
      %get3A_18 = arith.constant 0 : index
      %get3A_19 = arith.constant 0 : index
      %get3A_20 = arith.constant 0 : index
      %get3A_21 = vector.load %arg5[%get3A_18, %get3A_19, %get3A_20] : memref<1x1x1536xf32, #tpu.memory_space<vmem>>, vector<1x1x1536xf32>
      %get3A_22 = vector.shape_cast %get3A_21 : vector<1x1x1536xf32> to vector<1x1536xf32>
      %add3A = vector.broadcast %get3A_22 : vector<1x1536xf32> to vector<512x1536xf32>
      %add3A_23 = arith.addf %dot_general3A_17, %add3A : vector<512x1536xf32>
      %mul3A = arith.constant 5.000000e-01 : f32
      %mul3A_24 = vector.broadcast %mul3A : f32 to vector<512x1536xf32>
      %mul3A_25 = arith.mulf %mul3A_24, %add3A_23 : vector<512x1536xf32>
      %mul3A_26 = arith.constant 0.707106769 : f32
      %mul3A_27 = vector.broadcast %mul3A_26 : f32 to vector<512x1536xf32>
      %mul3A_28 = arith.mulf %add3A_23, %mul3A_27 : vector<512x1536xf32>
      %erf3A = math.erf %mul3A_28 : vector<512x1536xf32>
      %add3A_29 = arith.constant 1.000000e+00 : f32
      %add3A_30 = vector.broadcast %add3A_29 : f32 to vector<512x1536xf32>
      %add3A_31 = arith.addf %add3A_30, %erf3A : vector<512x1536xf32>
      %mul3A_32 = arith.mulf %mul3A_25, %add3A_31 : vector<512x1536xf32>
      %get3A_33 = arith.constant 0 : index
      %get3A_34 = arith.constant 0 : index
      %get3A_35 = arith.constant 0 : index
      %get3A_36 = vector.load %arg6[%get3A_33, %get3A_34, %get3A_35] : memref<1x1536x768xf32, #tpu.memory_space<vmem>>, vector<1x1536x768xf32>
      %get3A_37 = vector.shape_cast %get3A_36 : vector<1x1536x768xf32> to vector<1536x768xf32>
      %dot_general3A_38 = arith.constant dense<0.000000e+00> : vector<512x768xf32>
      %dot_general3A_39 = tpu.matmul %mul3A_32, %get3A_37, %dot_general3A_38 {dimension_numbers = #tpu.dot_dimension_numbers<[1], [0], [0], [1], [0, 0, 1, 1], [], []>, transpose_lhs_hint = false} : vector<512x1536xf32>, vector<1536x768xf32>, vector<512x768xf32> -> vector<512x768xf32>
      %get3A_40 = arith.constant 0 : index
      %get3A_41 = arith.constant 0 : index
      %get3A_42 = arith.constant 0 : index
      %get3A_43 = vector.load %arg7[%get3A_40, %get3A_41, %get3A_42] : memref<1x1x768xf32, #tpu.memory_space<vmem>>, vector<1x1x768xf32>
      %get3A_44 = vector.shape_cast %get3A_43 : vector<1x1x768xf32> to vector<1x768xf32>
      %add3A_45 = vector.broadcast %get3A_44 : vector<1x768xf32> to vector<512x768xf32>
      %add3A_46 = arith.addf %dot_general3A_39, %add3A_45 : vector<512x768xf32>
      %slice3A = vector.extract_strided_slice %add3A_46 {offsets = [0, 0], sizes = [512, 384], strides = [1, 1]} : vector<512x768xf32> to vector<512x384xf32>
      %slice3A_47 = vector.extract_strided_slice %add3A_46 {offsets = [0, 384], sizes = [512, 384], strides = [1, 1]} : vector<512x768xf32> to vector<512x384xf32>
      %convert_element_type3A_48 = arith.truncf %slice3A : vector<512x384xf32> to vector<512x384xbf16>
      %convert_element_type3A_49 = arith.extf %convert_element_type3A_48 : vector<512x384xbf16> to vector<512x384xf32>
      %bitcast_convert_type3A_50 = tpu.bitcast %convert_element_type3A_49 : vector<512x384xf32> -> vector<512x384xi32>
      %shift_right_logical3A = arith.constant 16 : i32
      %shift_right_logical3A_51 = vector.broadcast %shift_right_logical3A : i32 to vector<512x384xi32>
      %shift_right_logical3A_52 = arith.shrui %bitcast_convert_type3A_50, %shift_right_logical3A_51 : vector<512x384xi32>
      %convert_element_type3A_53 = arith.truncf %slice3A_47 : vector<512x384xf32> to vector<512x384xbf16>
      %convert_element_type3A_54 = arith.extf %convert_element_type3A_53 : vector<512x384xbf16> to vector<512x384xf32>
      %bitcast_convert_type3A_55 = tpu.bitcast %convert_element_type3A_54 : vector<512x384xf32> -> vector<512x384xi32>
      %and3A_56 = arith.constant -65536 : i32
      %and3A_57 = vector.broadcast %and3A_56 : i32 to vector<512x384xi32>
      %and3A_58 = arith.andi %bitcast_convert_type3A_55, %and3A_57 : vector<512x384xi32>
      %or3A = arith.ori %and3A_58, %shift_right_logical3A_52 : vector<512x384xi32>
      %bitcast_convert_type3A_59 = tpu.bitcast %or3A : vector<512x384xi32> -> vector<512x384xf32>
      %swap3A = arith.constant 0 : index
      %swap3A_60 = arith.constant 0 : index
      %swap3A_61 = vector.load %arg8[%swap3A, %swap3A_60] : memref<512x384xf32, #tpu.memory_space<vmem>>, vector<512x384xf32>
      tpu.vector_store %arg8[%swap3A, %swap3A_60], %bitcast_convert_type3A_59 {strides = array<i32>} : memref<512x384xf32, #tpu.memory_space<vmem>>, vector<512x384xf32>,
    } else {
    }
    return
  }
  func.func @transform_0(%arg0: i32, %arg1: memref<1x16xi32, #tpu.memory_space<smem>>, %arg2: memref<1x1xi32, #tpu.memory_space<smem>>) -> (i32, i32) {
    %get3A = arith.constant 0 : index
    %get3A_0 = arith.constant 0 : index
    %get3A_1 = memref.load %arg2[%get3A, %get3A_0] : memref<1x1xi32, #tpu.memory_space<smem>>
    %sub3A = arith.constant 1 : i32
    %sub3A_2 = arith.subi %get3A_1, %sub3A : i32
    %min3A = arith.minsi %arg0, %sub3A_2 : i32
    %c0_i32 = arith.constant 0 : i32
    %c0_i32_3 = arith.constant 0 : i32
    return %min3A, %c0_i32 : i32, i32
  }
  func.func @transform_1(%arg0: i32, %arg1: memref<1x16xi32, #tpu.memory_space<smem>>, %arg2: memref<1x1xi32, #tpu.memory_space<smem>>) -> (i32, i32, i32) {
    %get3A = arith.constant 0 : index
    %get3A_0 = arith.index_cast %arg0 : i32 to index
    %get3A_1 = memref.load %arg1[%get3A, %get3A_0] : memref<1x16xi32, #tpu.memory_space<smem>>
    %c0_i32 = arith.constant 0 : i32
    %c0_i32_2 = arith.constant 0 : i32
    %c0_i32_3 = arith.constant 0 : i32
    return %get3A_1, %c0_i32, %c0_i32_2 : i32, i32, i32
  }
  func.func @transform_2(%arg0: i32, %arg1: memref<1x16xi32, #tpu.memory_space<smem>>, %arg2: memref<1x1xi32, #tpu.memory_space<smem>>) -> (i32, i32, i32) {
    %get3A = arith.constant 0 : index
    %get3A_0 = arith.index_cast %arg0 : i32 to index
    %get3A_1 = memref.load %arg1[%get3A, %get3A_0] : memref<1x16xi32, #tpu.memory_space<smem>>
    %c0_i32 = arith.constant 0 : i32
    %c0_i32_2 = arith.constant 0 : i32
    %c0_i32_3 = arith.constant 0 : i32
    return %get3A_1, %c0_i32, %c0_i32_2 : i32, i32, i32
  }
  func.func @transform_3(%arg0: i32, %arg1: memref<1x16xi32, #tpu.memory_space<smem>>, %arg2: memref<1x1xi32, #tpu.memory_space<smem>>) -> (i32, i32, i32) {
    %get3A = arith.constant 0 : index
    %get3A_0 = arith.index_cast %arg0 : i32 to index
    %get3A_1 = memref.load %arg1[%get3A, %get3A_0] : memref<1x16xi32, #tpu.memory_space<smem>>
    %c0_i32 = arith.constant 0 : i32
    %c0_i32_2 = arith.constant 0 : i32
    %c0_i32_3 = arith.constant 0 : i32
    return %get3A_1, %c0_i32, %c0_i32_2 : i32, i32, i32
  }
  func.func @transform_4(%arg0: i32, %arg1: memref<1x16xi32, #tpu.memory_space<smem>>, %arg2: memref<1x1xi32, #tpu.memory_space<smem>>) -> (i32, i32, i32) {
    %get3A = arith.constant 0 : index
    %get3A_0 = arith.index_cast %arg0 : i32 to index
    %get3A_1 = memref.load %arg1[%get3A, %get3A_0] : memref<1x16xi32, #tpu.memory_space<smem>>
    %c0_i32 = arith.constant 0 : i32
    %c0_i32_2 = arith.constant 0 : i32
    %c0_i32_3 = arith.constant 0 : i32
    return %get3A_1, %c0_i32, %c0_i32_2 : i32, i32, i32
  }
  func.func @transform_5(%arg0: i32, %arg1: memref<1x16xi32, #tpu.memory_space<smem>>, %arg2: memref<1x1xi32, #tpu.memory_space<smem>>) -> (i32, i32) {
    %get3A = arith.constant 0 : index
    %get3A_0 = arith.constant 0 : index
    %get3A_1 = memref.load %arg2[%get3A, %get3A_0] : memref<1x1xi32, #tpu.memory_space<smem>>
    %lt3A = arith.cmpi slt, %arg0, %get3A_1 : i32
    %jit3A = arith.constant 15 : i32
    %select_n3A = arith.select %lt3A, %arg0, %jit3A : i32
    %c0_i32 = arith.constant 0 : i32
    %c0_i32_2 = arith.constant 0 : i32
    return %select_n3A, %c0_i32 : i32, i32
  }
}

module attributes {stable_mosaic.version = 14 : i64} {
  func.func @_route_body(%arg0: i32, %arg1: memref<1024x768xf32, #tpu.memory_space<vmem>>, %arg2: memref<1024x768xf32, #tpu.memory_space<vmem>>, %arg3: memref<1536x8xf32, #tpu.memory_space<vmem>>, %arg4: memref<1024x2xf32, #tpu.memory_space<vmem>>, %arg5: memref<1024xi32, #tpu.memory_space<vmem>>, %arg6: memref<1024xi32, #tpu.memory_space<vmem>>, %arg7: memref<1x16xi32, #tpu.memory_space<vmem>>, %arg8: memref<1024x384xf32, #tpu.memory_space<vmem>>, %arg9: memref<1x1xi32, #tpu.memory_space<vmem>>, %arg10: memref<1x8xf32, #tpu.memory_space<vmem>>, %arg11: memref<2048x8xf32, #tpu.memory_space<vmem>>, %arg12: memref<2048x8xf32, #tpu.memory_space<vmem>>, %arg13: memref<1x8xf32, #tpu.memory_space<vmem>>) attributes {dimension_semantics = [#tpu.dimension_semantics<arbitrary>], iteration_bounds = array<i64: 4>, scalar_prefetch = 0 : i64, scratch_operands = 4 : i64, tpu.core_type = #tpu.core_type<tc>, window_params = [{transform_indices = @transform_0, window_bounds = array<i64: 1024, 768>}, {transform_indices = @transform_1, window_bounds = array<i64: 1024, 768>}, {pipeline_mode = #tpu.pipeline_mode<synchronous>, transform_indices = @transform_2, window_bounds = array<i64: 1536, 8>}, {transform_indices = @transform_3, window_bounds = array<i64: 1024, 2>}, {transform_indices = @transform_4, window_bounds = array<i64: 1024>}, {transform_indices = @transform_5, window_bounds = array<i64: 1024>}, {pipeline_mode = #tpu.pipeline_mode<synchronous>, transform_indices = @transform_6, window_bounds = array<i64: 1, 16>}, {transform_indices = @transform_7, window_bounds = array<i64: 1024, 384>}, {pipeline_mode = #tpu.pipeline_mode<synchronous>, transform_indices = @transform_8, window_bounds = array<i64: 1, 1>}]} {
    %iota3A = tpu.iota {dimensions = array<i32: 1>} : vector<1024x8xi32>
    %lt3A = arith.constant 2 : i32
    %lt3A_0 = arith.cmpi slt, %arg0, %lt3A : i32
    %convert_element_type3A = arith.extui %lt3A_0 : i1 to i32
    %cond3A = arith.constant 0 : i32
    %cond3A_1 = arith.cmpi ne, %convert_element_type3A, %cond3A : i32
    scf.if %cond3A_1 {
      %get3A = arith.constant 0 : index
      %get3A_6 = arith.constant 0 : index
      %get3A_7 = vector.load %arg1[%get3A, %get3A_6] : memref<1024x768xf32, #tpu.memory_space<vmem>>, vector<1024x768xf32>
      %get3A_8 = arith.constant 0 : index
      %get3A_9 = arith.constant 0 : index
      %get3A_10 = vector.load %arg2[%get3A_8, %get3A_9] : memref<1024x768xf32, #tpu.memory_space<vmem>>, vector<1024x768xf32>
      %slice3A = vector.extract_strided_slice %get3A_7 {offsets = [0, 0], sizes = [1024, 384], strides = [1, 1]} : vector<1024x768xf32> to vector<1024x384xf32>
      %slice3A_11 = vector.extract_strided_slice %get3A_7 {offsets = [0, 384], sizes = [1024, 384], strides = [1, 1]} : vector<1024x768xf32> to vector<1024x384xf32>
      %convert_element_type3A_12 = arith.truncf %slice3A : vector<1024x384xf32> to vector<1024x384xbf16>
      %convert_element_type3A_13 = arith.extf %convert_element_type3A_12 : vector<1024x384xbf16> to vector<1024x384xf32>
      %bitcast_convert_type3A = tpu.bitcast %convert_element_type3A_13 : vector<1024x384xf32> -> vector<1024x384xi32>
      %shift_right_logical3A = arith.constant 16 : i32
      %shift_right_logical3A_14 = vector.broadcast %shift_right_logical3A : i32 to vector<1024x384xi32>
      %shift_right_logical3A_15 = arith.shrui %bitcast_convert_type3A, %shift_right_logical3A_14 : vector<1024x384xi32>
      %convert_element_type3A_16 = arith.truncf %slice3A_11 : vector<1024x384xf32> to vector<1024x384xbf16>
      %convert_element_type3A_17 = arith.extf %convert_element_type3A_16 : vector<1024x384xbf16> to vector<1024x384xf32>
      %bitcast_convert_type3A_18 = tpu.bitcast %convert_element_type3A_17 : vector<1024x384xf32> -> vector<1024x384xi32>
      %and3A = arith.constant -65536 : i32
      %and3A_19 = vector.broadcast %and3A : i32 to vector<1024x384xi32>
      %and3A_20 = arith.andi %bitcast_convert_type3A_18, %and3A_19 : vector<1024x384xi32>
      %or3A = arith.ori %and3A_20, %shift_right_logical3A_15 : vector<1024x384xi32>
      %bitcast_convert_type3A_21 = tpu.bitcast %or3A : vector<1024x384xi32> -> vector<1024x384xf32>
      %swap3A = arith.constant 0 : index
      %swap3A_22 = arith.constant 0 : index
      %swap3A_23 = vector.load %arg8[%swap3A, %swap3A_22] : memref<1024x384xf32, #tpu.memory_space<vmem>>, vector<1024x384xf32>
      tpu.vector_store %arg8[%swap3A, %swap3A_22], %bitcast_convert_type3A_21 {strides = array<i32>} : memref<1024x384xf32, #tpu.memory_space<vmem>>, vector<1024x384xf32>,
      %get3A_24 = arith.constant 0 : index
      %get3A_25 = arith.constant 0 : index
      %get3A_26 = vector.load %arg3[%get3A_24, %get3A_25] : memref<1536x8xf32, #tpu.memory_space<vmem>>, vector<768x8xf32>
      %dot_general3A = arith.constant dense<0.000000e+00> : vector<1024x8xf32>
      %dot_general3A_27 = tpu.matmul %get3A_7, %get3A_26, %dot_general3A {dimension_numbers = #tpu.dot_dimension_numbers<[1], [0], [0], [1], [0, 0, 1, 1], [], []>, transpose_lhs_hint = false} : vector<1024x768xf32>, vector<768x8xf32>, vector<1024x8xf32> -> vector<1024x8xf32>
      %get3A_28 = arith.constant 768 : index
      %get3A_29 = arith.constant 0 : index
      %get3A_30 = vector.load %arg3[%get3A_28, %get3A_29] : memref<1536x8xf32, #tpu.memory_space<vmem>>, vector<768x8xf32>
      %dot_general3A_31 = arith.constant dense<0.000000e+00> : vector<1024x8xf32>
      %dot_general3A_32 = tpu.matmul %get3A_10, %get3A_30, %dot_general3A_31 {dimension_numbers = #tpu.dot_dimension_numbers<[1], [0], [0], [1], [0, 0, 1, 1], [], []>, transpose_lhs_hint = false} : vector<1024x768xf32>, vector<768x8xf32>, vector<1024x8xf32> -> vector<1024x8xf32>
      %add3A = arith.addf %dot_general3A_27, %dot_general3A_32 : vector<1024x8xf32>
      %reduce_max3A = arith.constant dense<0xFF800000> : vector<1024xf32>
      %reduce_max3A_33 = vector.multi_reduction <maximumf>, %add3A, %reduce_max3A [1] : vector<1024x8xf32> to vector<1024xf32>
      %broadcast_in_dim3A = vector.shape_cast %reduce_max3A_33 : vector<1024xf32> to vector<1024x1xf32>
      %ge3A_34 = vector.broadcast %broadcast_in_dim3A : vector<1024x1xf32> to vector<1024x8xf32>
      %ge3A_35 = arith.cmpf oge, %add3A, %ge3A_34 : vector<1024x8xf32>
      %jit3A = arith.constant 8 : i32
      %broadcast_in_dim3A_36 = vector.broadcast %jit3A : i32 to vector<1024x8xi32>
      %select_n3A = arith.select %ge3A_35, %iota3A, %broadcast_in_dim3A_36 : vector<1024x8xi1>, vector<1024x8xi32>
      %reduce_min3A = arith.constant dense<2147483647> : vector<1024xi32>
      %reduce_min3A_37 = vector.multi_reduction <minsi>, %select_n3A, %reduce_min3A [1] : vector<1024x8xi32> to vector<1024xi32>
      %broadcast_in_dim3A_38 = vector.shape_cast %reduce_min3A_37 : vector<1024xi32> to vector<1024x1xi32>
      %eq3A = vector.broadcast %broadcast_in_dim3A_38 : vector<1024x1xi32> to vector<1024x8xi32>
      %eq3A_39 = arith.cmpi eq, %iota3A, %eq3A : vector<1024x8xi32>
      %jit3A_40 = arith.constant 0xFF800000 : f32
      %broadcast_in_dim3A_41 = vector.broadcast %jit3A_40 : f32 to vector<1024x8xf32>
      %select_n3A_42 = arith.select %eq3A_39, %broadcast_in_dim3A_41, %add3A : vector<1024x8xi1>, vector<1024x8xf32>
      %reduce_max3A_43 = arith.constant dense<0xFF800000> : vector<1024xf32>
      %reduce_max3A_44 = vector.multi_reduction <maximumf>, %select_n3A_42, %reduce_max3A_43 [1] : vector<1024x8xf32> to vector<1024xf32>
      %broadcast_in_dim3A_45 = vector.shape_cast %reduce_max3A_44 : vector<1024xf32> to vector<1024x1xf32>
      %ge3A_46 = vector.broadcast %broadcast_in_dim3A_45 : vector<1024x1xf32> to vector<1024x8xf32>
      %ge3A_47 = arith.cmpf oge, %select_n3A_42, %ge3A_46 : vector<1024x8xf32>
      %jit3A_48 = arith.constant 8 : i32
      %broadcast_in_dim3A_49 = vector.broadcast %jit3A_48 : i32 to vector<1024x8xi32>
      %select_n3A_50 = arith.select %ge3A_47, %iota3A, %broadcast_in_dim3A_49 : vector<1024x8xi1>, vector<1024x8xi32>
      %reduce_min3A_51 = arith.constant dense<2147483647> : vector<1024xi32>
      %reduce_min3A_52 = vector.multi_reduction <minsi>, %select_n3A_50, %reduce_min3A_51 [1] : vector<1024x8xi32> to vector<1024xi32>
      %broadcast_in_dim3A_53 = vector.shape_cast %reduce_min3A_52 : vector<1024xi32> to vector<1024x1xi32>
      %eq3A_54 = vector.broadcast %broadcast_in_dim3A_53 : vector<1024x1xi32> to vector<1024x8xi32>
      %eq3A_55 = arith.cmpi eq, %iota3A, %eq3A_54 : vector<1024x8xi32>
      %sub3A = arith.subf %broadcast_in_dim3A, %broadcast_in_dim3A_45 : vector<1024x1xf32>
      %logistic3A = arith.negf %sub3A : vector<1024x1xf32>
      %logistic3A_56 = math.exp %logistic3A : vector<1024x1xf32>
      %logistic3A_57 = arith.constant 1.000000e+00 : f32
      %logistic3A_58 = vector.broadcast %logistic3A_57 : f32 to vector<1024x1xf32>
      %logistic3A_59 = arith.addf %logistic3A_58, %logistic3A_56 : vector<1024x1xf32>
      %logistic3A_60 = arith.divf %logistic3A_58, %logistic3A_59 : vector<1024x1xf32>
      %sub3A_61 = arith.constant 1.000000e+00 : f32
      %sub3A_62 = vector.broadcast %sub3A_61 : f32 to vector<1024x1xf32>
      %sub3A_63 = arith.subf %sub3A_62, %logistic3A_60 : vector<1024x1xf32>
      %concatenate3A = tpu.concatenate %logistic3A_60, %sub3A_63 in 1 : vector<1024x1xf32>, vector<1024x1xf32> -> vector<1024x2xf32>
      %swap3A_64 = arith.constant 0 : index
      %swap3A_65 = arith.constant 0 : index
      %swap3A_66 = vector.load %arg4[%swap3A_64, %swap3A_65] : memref<1024x2xf32, #tpu.memory_space<vmem>>, vector<1024x2xf32>
      tpu.vector_store %arg4[%swap3A_64, %swap3A_65], %concatenate3A {strides = array<i32>} : memref<1024x2xf32, #tpu.memory_space<vmem>>, vector<1024x2xf32>,
      %convert_element_type3A_67 = arith.extui %eq3A_39 : vector<1024x8xi1> to vector<1024x8xi32>
      %convert_element_type3A_68 = arith.sitofp %convert_element_type3A_67 : vector<1024x8xi32> to vector<1024x8xf32>
      %convert_element_type3A_69 = arith.extui %eq3A_55 : vector<1024x8xi1> to vector<1024x8xi32>
      %convert_element_type3A_70 = arith.sitofp %convert_element_type3A_69 : vector<1024x8xi32> to vector<1024x8xf32>
      %add3A_71 = arith.addf %convert_element_type3A_68, %convert_element_type3A_70 : vector<1024x8xf32>
      %eq3A_72 = arith.constant 0 : i32
      %eq3A_73 = arith.cmpi eq, %arg0, %eq3A_72 : i32
      %convert_element_type3A_74 = arith.extui %eq3A_73 : i1 to i32
      %cond3A_75 = arith.constant 0 : i32
      %cond3A_76 = arith.cmpi ne, %convert_element_type3A_74, %cond3A_75 : i32
      scf.if %cond3A_76 {
        %broadcast_in_dim3A_161 = arith.constant 0.000000e+00 : f32
        %broadcast_in_dim3A_162 = vector.broadcast %broadcast_in_dim3A_161 : f32 to vector<1x8xf32>
        %swap3A_163 = arith.constant 0 : index
        %swap3A_164 = arith.constant 0 : index
        %swap3A_165 = vector.load %arg10[%swap3A_163, %swap3A_164] : memref<1x8xf32, #tpu.memory_space<vmem>>, vector<1x8xf32>
        tpu.vector_store %arg10[%swap3A_163, %swap3A_164], %broadcast_in_dim3A_162 {strides = array<i32>} : memref<1x8xf32, #tpu.memory_space<vmem>>, vector<1x8xf32>,
      } else {
      }
      %broadcast_in_dim3A_77 = arith.constant 0.000000e+00 : f32
      %broadcast_in_dim3A_78 = vector.broadcast %broadcast_in_dim3A_77 : f32 to vector<1x8xf32>
      %slice3A_79 = vector.extract_strided_slice %add3A_71 {offsets = [0, 0], sizes = [1023, 8], strides = [1, 1]} : vector<1024x8xf32> to vector<1023x8xf32>
      %concatenate3A_80 = tpu.concatenate %broadcast_in_dim3A_78, %slice3A_79 in 0 : vector<1x8xf32>, vector<1023x8xf32> -> vector<1024x8xf32>
      %add3A_81 = arith.addf %add3A_71, %concatenate3A_80 : vector<1024x8xf32>
      %broadcast_in_dim3A_82 = arith.constant 0.000000e+00 : f32
      %broadcast_in_dim3A_83 = vector.broadcast %broadcast_in_dim3A_82 : f32 to vector<2x8xf32>
      %slice3A_84 = vector.extract_strided_slice %add3A_81 {offsets = [0, 0], sizes = [1022, 8], strides = [1, 1]} : vector<1024x8xf32> to vector<1022x8xf32>
      %concatenate3A_85 = tpu.concatenate %broadcast_in_dim3A_83, %slice3A_84 in 0 : vector<2x8xf32>, vector<1022x8xf32> -> vector<1024x8xf32>
      %add3A_86 = arith.addf %add3A_81, %concatenate3A_85 : vector<1024x8xf32>
      %broadcast_in_dim3A_87 = arith.constant 0.000000e+00 : f32
      %broadcast_in_dim3A_88 = vector.broadcast %broadcast_in_dim3A_87 : f32 to vector<4x8xf32>
      %slice3A_89 = vector.extract_strided_slice %add3A_86 {offsets = [0, 0], sizes = [1020, 8], strides = [1, 1]} : vector<1024x8xf32> to vector<1020x8xf32>
      %concatenate3A_90 = tpu.concatenate %broadcast_in_dim3A_88, %slice3A_89 in 0 : vector<4x8xf32>, vector<1020x8xf32> -> vector<1024x8xf32>
      %add3A_91 = arith.addf %add3A_86, %concatenate3A_90 : vector<1024x8xf32>
      %broadcast_in_dim3A_92 = arith.constant 0.000000e+00 : f32
      %broadcast_in_dim3A_93 = vector.broadcast %broadcast_in_dim3A_92 : f32 to vector<8x8xf32>
      %slice3A_94 = vector.extract_strided_slice %add3A_91 {offsets = [0, 0], sizes = [1016, 8], strides = [1, 1]} : vector<1024x8xf32> to vector<1016x8xf32>
      %concatenate3A_95 = tpu.concatenate %broadcast_in_dim3A_93, %slice3A_94 in 0 : vector<8x8xf32>, vector<1016x8xf32> -> vector<1024x8xf32>
      %add3A_96 = arith.addf %add3A_91, %concatenate3A_95 : vector<1024x8xf32>
      %broadcast_in_dim3A_97 = arith.constant 0.000000e+00 : f32
      %broadcast_in_dim3A_98 = vector.broadcast %broadcast_in_dim3A_97 : f32 to vector<16x8xf32>
      %slice3A_99 = vector.extract_strided_slice %add3A_96 {offsets = [0, 0], sizes = [1008, 8], strides = [1, 1]} : vector<1024x8xf32> to vector<1008x8xf32>
      %concatenate3A_100 = tpu.concatenate %broadcast_in_dim3A_98, %slice3A_99 in 0 : vector<16x8xf32>, vector<1008x8xf32> -> vector<1024x8xf32>
      %add3A_101 = arith.addf %add3A_96, %concatenate3A_100 : vector<1024x8xf32>
      %broadcast_in_dim3A_102 = arith.constant 0.000000e+00 : f32
      %broadcast_in_dim3A_103 = vector.broadcast %broadcast_in_dim3A_102 : f32 to vector<32x8xf32>
      %slice3A_104 = vector.extract_strided_slice %add3A_101 {offsets = [0, 0], sizes = [992, 8], strides = [1, 1]} : vector<1024x8xf32> to vector<992x8xf32>
      %concatenate3A_105 = tpu.concatenate %broadcast_in_dim3A_103, %slice3A_104 in 0 : vector<32x8xf32>, vector<992x8xf32> -> vector<1024x8xf32>
      %add3A_106 = arith.addf %add3A_101, %concatenate3A_105 : vector<1024x8xf32>
      %broadcast_in_dim3A_107 = arith.constant 0.000000e+00 : f32
      %broadcast_in_dim3A_108 = vector.broadcast %broadcast_in_dim3A_107 : f32 to vector<64x8xf32>
      %slice3A_109 = vector.extract_strided_slice %add3A_106 {offsets = [0, 0], sizes = [960, 8], strides = [1, 1]} : vector<1024x8xf32> to vector<960x8xf32>
      %concatenate3A_110 = tpu.concatenate %broadcast_in_dim3A_108, %slice3A_109 in 0 : vector<64x8xf32>, vector<960x8xf32> -> vector<1024x8xf32>
      %add3A_111 = arith.addf %add3A_106, %concatenate3A_110 : vector<1024x8xf32>
      %broadcast_in_dim3A_112 = arith.constant 0.000000e+00 : f32
      %broadcast_in_dim3A_113 = vector.broadcast %broadcast_in_dim3A_112 : f32 to vector<128x8xf32>
      %slice3A_114 = vector.extract_strided_slice %add3A_111 {offsets = [0, 0], sizes = [896, 8], strides = [1, 1]} : vector<1024x8xf32> to vector<896x8xf32>
      %concatenate3A_115 = tpu.concatenate %broadcast_in_dim3A_113, %slice3A_114 in 0 : vector<128x8xf32>, vector<896x8xf32> -> vector<1024x8xf32>
      %add3A_116 = arith.addf %add3A_111, %concatenate3A_115 : vector<1024x8xf32>
      %broadcast_in_dim3A_117 = arith.constant 0.000000e+00 : f32
      %broadcast_in_dim3A_118 = vector.broadcast %broadcast_in_dim3A_117 : f32 to vector<256x8xf32>
      %slice3A_119 = vector.extract_strided_slice %add3A_116 {offsets = [0, 0], sizes = [768, 8], strides = [1, 1]} : vector<1024x8xf32> to vector<768x8xf32>
      %concatenate3A_120 = tpu.concatenate %broadcast_in_dim3A_118, %slice3A_119 in 0 : vector<256x8xf32>, vector<768x8xf32> -> vector<1024x8xf32>
      %add3A_121 = arith.addf %add3A_116, %concatenate3A_120 : vector<1024x8xf32>
      %broadcast_in_dim3A_122 = arith.constant 0.000000e+00 : f32
      %broadcast_in_dim3A_123 = vector.broadcast %broadcast_in_dim3A_122 : f32 to vector<512x8xf32>
      %slice3A_124 = vector.extract_strided_slice %add3A_121 {offsets = [0, 0], sizes = [512, 8], strides = [1, 1]} : vector<1024x8xf32> to vector<512x8xf32>
      %concatenate3A_125 = tpu.concatenate %broadcast_in_dim3A_123, %slice3A_124 in 0 : vector<512x8xf32>, vector<512x8xf32> -> vector<1024x8xf32>
      %add3A_126 = arith.addf %add3A_121, %concatenate3A_125 : vector<1024x8xf32>
      %sub3A_127 = arith.subf %add3A_126, %add3A_71 : vector<1024x8xf32>
      %get3A_128 = arith.constant 0 : index
      %get3A_129 = arith.constant 0 : index
      %get3A_130 = vector.load %arg10[%get3A_128, %get3A_129] : memref<1x8xf32, #tpu.memory_space<vmem>>, vector<1x8xf32>
      %add3A_131 = vector.broadcast %get3A_130 : vector<1x8xf32> to vector<1024x8xf32>
      %add3A_132 = arith.addf %sub3A_127, %add3A_131 : vector<1024x8xf32>
      %mul3A = arith.constant 1024 : i32
      %mul3A_133 = arith.muli %arg0, %mul3A : i32
      %swap3A_134 = arith.index_cast %mul3A_133 : i32 to index
      %swap3A_135 = arith.constant 0 : index
      %swap3A_136 = vector.load %arg11[%swap3A_134, %swap3A_135] : memref<2048x8xf32, #tpu.memory_space<vmem>>, vector<1024x8xf32>
      tpu.vector_store %arg11[%swap3A_134, %swap3A_135], %add3A_132 {strides = array<i32>} : memref<2048x8xf32, #tpu.memory_space<vmem>>, vector<1024x8xf32>,
      %convert_element_type3A_137 = arith.sitofp %broadcast_in_dim3A_38 : vector<1024x1xi32> to vector<1024x1xf32>
      %convert_element_type3A_138 = arith.sitofp %broadcast_in_dim3A_53 : vector<1024x1xi32> to vector<1024x1xf32>
      %broadcast_in_dim3A_139 = arith.constant 0.000000e+00 : f32
      %broadcast_in_dim3A_140 = vector.broadcast %broadcast_in_dim3A_139 : f32 to vector<1024x4xf32>
      %concatenate3A_141 = tpu.concatenate %convert_element_type3A_137, %convert_element_type3A_138, %logistic3A_60, %sub3A_63, %broadcast_in_dim3A_140 in 1 : vector<1024x1xf32>, vector<1024x1xf32>, vector<1024x1xf32>, vector<1024x1xf32>, vector<1024x4xf32> -> vector<1024x8xf32>
      %mul3A_142 = arith.constant 1024 : i32
      %mul3A_143 = arith.muli %arg0, %mul3A_142 : i32
      %swap3A_144 = arith.index_cast %mul3A_143 : i32 to index
      %swap3A_145 = arith.constant 0 : index
      %swap3A_146 = vector.load %arg12[%swap3A_144, %swap3A_145] : memref<2048x8xf32, #tpu.memory_space<vmem>>, vector<1024x8xf32>
      tpu.vector_store %arg12[%swap3A_144, %swap3A_145], %concatenate3A_141 {strides = array<i32>} : memref<2048x8xf32, #tpu.memory_space<vmem>>, vector<1024x8xf32>,
      %get3A_147 = arith.constant 0 : index
      %get3A_148 = arith.constant 0 : index
      %get3A_149 = vector.load %arg10[%get3A_147, %get3A_148] : memref<1x8xf32, #tpu.memory_space<vmem>>, vector<1x8xf32>
      %reduce_sum3A = arith.constant dense<0.000000e+00> : vector<8xf32>
      %reduce_sum3A_150 = vector.multi_reduction <add>, %add3A_71, %reduce_sum3A [0] : vector<1024x8xf32> to vector<8xf32>
      %broadcast_in_dim3A_151 = vector.shape_cast %reduce_sum3A_150 : vector<8xf32> to vector<1x8xf32>
      %add3A_152 = arith.addf %get3A_149, %broadcast_in_dim3A_151 : vector<1x8xf32>
      %swap3A_153 = arith.constant 0 : index
      %swap3A_154 = arith.constant 0 : index
      %swap3A_155 = vector.load %arg10[%swap3A_153, %swap3A_154] : memref<1x8xf32, #tpu.memory_space<vmem>>, vector<1x8xf32>
      tpu.vector_store %arg10[%swap3A_153, %swap3A_154], %add3A_152 {strides = array<i32>} : memref<1x8xf32, #tpu.memory_space<vmem>>, vector<1x8xf32>,
      %eq3A_156 = arith.constant 1 : i32
      %eq3A_157 = arith.cmpi eq, %arg0, %eq3A_156 : i32
      %convert_element_type3A_158 = arith.extui %eq3A_157 : i1 to i32
      %cond3A_159 = arith.constant 0 : i32
      %cond3A_160 = arith.cmpi ne, %convert_element_type3A_158, %cond3A_159 : i32
      scf.if %cond3A_160 {
        %mul3A_161 = arith.constant 0.001953125 : f32
        %mul3A_162 = vector.broadcast %mul3A_161 : f32 to vector<1x8xf32>
        %mul3A_163 = arith.mulf %add3A_152, %mul3A_162 : vector<1x8xf32>
        %ceil3A = math.ceil %mul3A_163 : vector<1x8xf32>
        %iota3A_164 = tpu.iota {dimensions = array<i32: 0>} : vector<8x8xi32>
        %iota3A_165 = tpu.iota {dimensions = array<i32: 1>} : vector<8x8xi32>
        %lt3A_166 = arith.cmpi slt, %iota3A_164, %iota3A_165 : vector<8x8xi32>
        %convert_element_type3A_167 = arith.extui %lt3A_166 : vector<8x8xi1> to vector<8x8xi32>
        %convert_element_type3A_168 = arith.sitofp %convert_element_type3A_167 : vector<8x8xi32> to vector<8x8xf32>
        %dot_general3A_169 = arith.constant dense<0.000000e+00> : vector<1x8xf32>
        %dot_general3A_170 = tpu.matmul %ceil3A, %convert_element_type3A_168, %dot_general3A_169 {dimension_numbers = #tpu.dot_dimension_numbers<[1], [0], [0], [1], [0, 0, 1, 1], [], []>, transpose_lhs_hint = false} : vector<1x8xf32>, vector<8x8xf32>, vector<1x8xf32> -> vector<1x8xf32>
        %mul3A_171 = arith.constant 5.120000e+02 : f32
        %mul3A_172 = vector.broadcast %mul3A_171 : f32 to vector<1x8xf32>
        %mul3A_173 = arith.mulf %dot_general3A_170, %mul3A_172 : vector<1x8xf32>
        %swap3A_174 = arith.constant 0 : index
        %swap3A_175 = arith.constant 0 : index
        %swap3A_176 = vector.load %arg13[%swap3A_174, %swap3A_175] : memref<1x8xf32, #tpu.memory_space<vmem>>, vector<1x8xf32>
        tpu.vector_store %arg13[%swap3A_174, %swap3A_175], %mul3A_173 {strides = array<i32>} : memref<1x8xf32, #tpu.memory_space<vmem>>, vector<1x8xf32>,
        %reduce_sum3A_177 = vector.shape_cast %ceil3A : vector<1x8xf32> to vector<1x1x8xf32>
        %reduce_sum3A_178 = arith.constant dense<0.000000e+00> : vector<1xf32>
        %reduce_sum3A_179 = vector.multi_reduction <add>, %reduce_sum3A_177, %reduce_sum3A_178 [1, 2] : vector<1x1x8xf32> to vector<1xf32>
        %reduce_sum3A_180 = vector.shape_cast %reduce_sum3A_179 : vector<1xf32> to vector<1x1x1xf32>
        %reduce_sum3A_181 = vector.extract %reduce_sum3A_180[0, 0, 0] : f32 from vector<1x1x1xf32>
        %iota3A_182 = tpu.iota {dimensions = array<i32: 1>} : vector<1x16xi32>
        %convert_element_type3A_183 = arith.sitofp %iota3A_182 : vector<1x16xi32> to vector<1x16xf32>
        %broadcast_in_dim3A_184 = arith.constant 0.000000e+00 : f32
        %broadcast_in_dim3A_185 = vector.broadcast %broadcast_in_dim3A_184 : f32 to vector<1x16xf32>
        %slice3A_186 = vector.extract_strided_slice %dot_general3A_170 {offsets = [0, 0], sizes = [1, 1], strides = [1, 1]} : vector<1x8xf32> to vector<1x1xf32>
        %squeeze3A = vector.extract %slice3A_186[0, 0] : f32 from vector<1x1xf32>
        %ge3A_187 = vector.broadcast %squeeze3A : f32 to vector<1x16xf32>
        %ge3A_188 = arith.cmpf oge, %convert_element_type3A_183, %ge3A_187 : vector<1x16xf32>
        %convert_element_type3A_189 = arith.extui %ge3A_188 : vector<1x16xi1> to vector<1x16xi32>
        %convert_element_type3A_190 = arith.sitofp %convert_element_type3A_189 : vector<1x16xi32> to vector<1x16xf32>
        %add3A_191 = arith.addf %broadcast_in_dim3A_185, %convert_element_type3A_190 : vector<1x16xf32>
        %slice3A_192 = vector.extract_strided_slice %dot_general3A_170 {offsets = [0, 1], sizes = [1, 1], strides = [1, 1]} : vector<1x8xf32> to vector<1x1xf32>
        %squeeze3A_193 = vector.extract %slice3A_192[0, 0] : f32 from vector<1x1xf32>
        %ge3A_194 = vector.broadcast %squeeze3A_193 : f32 to vector<1x16xf32>
        %ge3A_195 = arith.cmpf oge, %convert_element_type3A_183, %ge3A_194 : vector<1x16xf32>
        %convert_element_type3A_196 = arith.extui %ge3A_195 : vector<1x16xi1> to vector<1x16xi32>
        %convert_element_type3A_197 = arith.sitofp %convert_element_type3A_196 : vector<1x16xi32> to vector<1x16xf32>
        %add3A_198 = arith.addf %add3A_191, %convert_element_type3A_197 : vector<1x16xf32>
        %slice3A_199 = vector.extract_strided_slice %dot_general3A_170 {offsets = [0, 2], sizes = [1, 1], strides = [1, 1]} : vector<1x8xf32> to vector<1x1xf32>
        %squeeze3A_200 = vector.extract %slice3A_199[0, 0] : f32 from vector<1x1xf32>
        %ge3A_201 = vector.broadcast %squeeze3A_200 : f32 to vector<1x16xf32>
        %ge3A_202 = arith.cmpf oge, %convert_element_type3A_183, %ge3A_201 : vector<1x16xf32>
        %convert_element_type3A_203 = arith.extui %ge3A_202 : vector<1x16xi1> to vector<1x16xi32>
        %convert_element_type3A_204 = arith.sitofp %convert_element_type3A_203 : vector<1x16xi32> to vector<1x16xf32>
        %add3A_205 = arith.addf %add3A_198, %convert_element_type3A_204 : vector<1x16xf32>
        %slice3A_206 = vector.extract_strided_slice %dot_general3A_170 {offsets = [0, 3], sizes = [1, 1], strides = [1, 1]} : vector<1x8xf32> to vector<1x1xf32>
        %squeeze3A_207 = vector.extract %slice3A_206[0, 0] : f32 from vector<1x1xf32>
        %ge3A_208 = vector.broadcast %squeeze3A_207 : f32 to vector<1x16xf32>
        %ge3A_209 = arith.cmpf oge, %convert_element_type3A_183, %ge3A_208 : vector<1x16xf32>
        %convert_element_type3A_210 = arith.extui %ge3A_209 : vector<1x16xi1> to vector<1x16xi32>
        %convert_element_type3A_211 = arith.sitofp %convert_element_type3A_210 : vector<1x16xi32> to vector<1x16xf32>
        %add3A_212 = arith.addf %add3A_205, %convert_element_type3A_211 : vector<1x16xf32>
        %slice3A_213 = vector.extract_strided_slice %dot_general3A_170 {offsets = [0, 4], sizes = [1, 1], strides = [1, 1]} : vector<1x8xf32> to vector<1x1xf32>
        %squeeze3A_214 = vector.extract %slice3A_213[0, 0] : f32 from vector<1x1xf32>
        %ge3A_215 = vector.broadcast %squeeze3A_214 : f32 to vector<1x16xf32>
        %ge3A_216 = arith.cmpf oge, %convert_element_type3A_183, %ge3A_215 : vector<1x16xf32>
        %convert_element_type3A_217 = arith.extui %ge3A_216 : vector<1x16xi1> to vector<1x16xi32>
        %convert_element_type3A_218 = arith.sitofp %convert_element_type3A_217 : vector<1x16xi32> to vector<1x16xf32>
        %add3A_219 = arith.addf %add3A_212, %convert_element_type3A_218 : vector<1x16xf32>
        %slice3A_220 = vector.extract_strided_slice %dot_general3A_170 {offsets = [0, 5], sizes = [1, 1], strides = [1, 1]} : vector<1x8xf32> to vector<1x1xf32>
        %squeeze3A_221 = vector.extract %slice3A_220[0, 0] : f32 from vector<1x1xf32>
        %ge3A_222 = vector.broadcast %squeeze3A_221 : f32 to vector<1x16xf32>
        %ge3A_223 = arith.cmpf oge, %convert_element_type3A_183, %ge3A_222 : vector<1x16xf32>
        %convert_element_type3A_224 = arith.extui %ge3A_223 : vector<1x16xi1> to vector<1x16xi32>
        %convert_element_type3A_225 = arith.sitofp %convert_element_type3A_224 : vector<1x16xi32> to vector<1x16xf32>
        %add3A_226 = arith.addf %add3A_219, %convert_element_type3A_225 : vector<1x16xf32>
        %slice3A_227 = vector.extract_strided_slice %dot_general3A_170 {offsets = [0, 6], sizes = [1, 1], strides = [1, 1]} : vector<1x8xf32> to vector<1x1xf32>
        %squeeze3A_228 = vector.extract %slice3A_227[0, 0] : f32 from vector<1x1xf32>
        %ge3A_229 = vector.broadcast %squeeze3A_228 : f32 to vector<1x16xf32>
        %ge3A_230 = arith.cmpf oge, %convert_element_type3A_183, %ge3A_229 : vector<1x16xf32>
        %convert_element_type3A_231 = arith.extui %ge3A_230 : vector<1x16xi1> to vector<1x16xi32>
        %convert_element_type3A_232 = arith.sitofp %convert_element_type3A_231 : vector<1x16xi32> to vector<1x16xf32>
        %add3A_233 = arith.addf %add3A_226, %convert_element_type3A_232 : vector<1x16xf32>
        %slice3A_234 = vector.extract_strided_slice %dot_general3A_170 {offsets = [0, 7], sizes = [1, 1], strides = [1, 1]} : vector<1x8xf32> to vector<1x1xf32>
        %squeeze3A_235 = vector.extract %slice3A_234[0, 0] : f32 from vector<1x1xf32>
        %ge3A_236 = vector.broadcast %squeeze3A_235 : f32 to vector<1x16xf32>
        %ge3A_237 = arith.cmpf oge, %convert_element_type3A_183, %ge3A_236 : vector<1x16xf32>
        %convert_element_type3A_238 = arith.extui %ge3A_237 : vector<1x16xi1> to vector<1x16xi32>
        %convert_element_type3A_239 = arith.sitofp %convert_element_type3A_238 : vector<1x16xi32> to vector<1x16xf32>
        %add3A_240 = arith.addf %add3A_233, %convert_element_type3A_239 : vector<1x16xf32>
        %sub3A_241 = arith.constant 1.000000e+00 : f32
        %sub3A_242 = vector.broadcast %sub3A_241 : f32 to vector<1x16xf32>
        %sub3A_243 = arith.subf %add3A_240, %sub3A_242 : vector<1x16xf32>
        %convert_element_type3A_244 = arith.fptosi %sub3A_243 : vector<1x16xf32> to vector<1x16xi32>
        %swap3A_245 = arith.constant 0 : index
        %swap3A_246 = arith.constant 0 : index
        %swap3A_247 = vector.load %arg7[%swap3A_245, %swap3A_246] : memref<1x16xi32, #tpu.memory_space<vmem>>, vector<1x16xi32>
        tpu.vector_store %arg7[%swap3A_245, %swap3A_246], %convert_element_type3A_244 {strides = array<i32>} : memref<1x16xi32, #tpu.memory_space<vmem>>, vector<1x16xi32>,
        %broadcast_in_dim3A_248 = vector.broadcast %reduce_sum3A_181 : f32 to vector<1x1xf32>
        %convert_element_type3A_249 = arith.fptosi %broadcast_in_dim3A_248 : vector<1x1xf32> to vector<1x1xi32>
        %swap3A_250 = arith.constant 0 : index
        %swap3A_251 = arith.constant 0 : index
        %swap3A_252 = vector.load %arg9[%swap3A_250, %swap3A_251] : memref<1x1xi32, #tpu.memory_space<vmem>>, vector<1x1xi32>
        tpu.vector_store %arg9[%swap3A_250, %swap3A_251], %convert_element_type3A_249 {strides = array<i32>} : memref<1x1xi32, #tpu.memory_space<vmem>>, vector<1x1xi32>,
      } else {
      }
    } else {
    }
    %ge3A = arith.constant 2 : i32
    %ge3A_2 = arith.cmpi sge, %arg0, %ge3A : i32
    %convert_element_type3A_3 = arith.extui %ge3A_2 : i1 to i32
    %cond3A_4 = arith.constant 0 : i32
    %cond3A_5 = arith.cmpi ne, %convert_element_type3A_3, %cond3A_4 : i32
    scf.if %cond3A_5 {
      %sub3A = arith.constant 2 : i32
      %sub3A_6 = arith.subi %arg0, %sub3A : i32
      %mul3A = arith.constant 1024 : i32
      %mul3A_7 = arith.muli %sub3A_6, %mul3A : i32
      %get3A = arith.index_cast %mul3A_7 : i32 to index
      %get3A_8 = arith.constant 0 : index
      %get3A_9 = vector.load %arg11[%get3A, %get3A_8] : memref<2048x8xf32, #tpu.memory_space<vmem>>, vector<1024x8xf32>
      %mul3A_10 = arith.constant 1024 : i32
      %mul3A_11 = arith.muli %sub3A_6, %mul3A_10 : i32
      %get3A_12 = arith.index_cast %mul3A_11 : i32 to index
      %get3A_13 = arith.constant 0 : index
      %get3A_14 = vector.load %arg12[%get3A_12, %get3A_13] : memref<2048x8xf32, #tpu.memory_space<vmem>>, vector<1024x8xf32>
      %slice3A = vector.extract_strided_slice %get3A_14 {offsets = [0, 0], sizes = [1024, 1], strides = [1, 1]} : vector<1024x8xf32> to vector<1024x1xf32>
      %convert_element_type3A_15 = arith.fptosi %slice3A : vector<1024x1xf32> to vector<1024x1xi32>
      %slice3A_16 = vector.extract_strided_slice %get3A_14 {offsets = [0, 1], sizes = [1024, 1], strides = [1, 1]} : vector<1024x8xf32> to vector<1024x1xf32>
      %convert_element_type3A_17 = arith.fptosi %slice3A_16 : vector<1024x1xf32> to vector<1024x1xi32>
      %get3A_18 = arith.constant 0 : index
      %get3A_19 = arith.constant 0 : index
      %get3A_20 = vector.load %arg13[%get3A_18, %get3A_19] : memref<1x8xf32, #tpu.memory_space<vmem>>, vector<1x8xf32>
      %add3A = vector.broadcast %get3A_20 : vector<1x8xf32> to vector<1024x8xf32>
      %add3A_21 = arith.addf %add3A, %get3A_9 : vector<1024x8xf32>
      %eq3A = vector.broadcast %convert_element_type3A_15 : vector<1024x1xi32> to vector<1024x8xi32>
      %eq3A_22 = arith.cmpi eq, %iota3A, %eq3A : vector<1024x8xi32>
      %convert_element_type3A_23 = arith.extui %eq3A_22 : vector<1024x8xi1> to vector<1024x8xi32>
      %convert_element_type3A_24 = arith.sitofp %convert_element_type3A_23 : vector<1024x8xi32> to vector<1024x8xf32>
      %eq3A_25 = vector.broadcast %convert_element_type3A_17 : vector<1024x1xi32> to vector<1024x8xi32>
      %eq3A_26 = arith.cmpi eq, %iota3A, %eq3A_25 : vector<1024x8xi32>
      %convert_element_type3A_27 = arith.extui %eq3A_26 : vector<1024x8xi1> to vector<1024x8xi32>
      %convert_element_type3A_28 = arith.sitofp %convert_element_type3A_27 : vector<1024x8xi32> to vector<1024x8xf32>
      %mul3A_29 = arith.mulf %convert_element_type3A_24, %add3A_21 : vector<1024x8xf32>
      %reduce_sum3A = arith.constant dense<0.000000e+00> : vector<1024xf32>
      %reduce_sum3A_30 = vector.multi_reduction <add>, %mul3A_29, %reduce_sum3A [1] : vector<1024x8xf32> to vector<1024xf32>
      %mul3A_31 = arith.mulf %convert_element_type3A_28, %add3A_21 : vector<1024x8xf32>
      %reduce_sum3A_32 = arith.constant dense<0.000000e+00> : vector<1024xf32>
      %reduce_sum3A_33 = vector.multi_reduction <add>, %mul3A_31, %reduce_sum3A_32 [1] : vector<1024x8xf32> to vector<1024xf32>
      %convert_element_type3A_34 = arith.fptosi %reduce_sum3A_30 : vector<1024xf32> to vector<1024xi32>
      %swap3A = arith.constant 0 : index
      %swap3A_35 = vector.load %arg5[%swap3A] : memref<1024xi32, #tpu.memory_space<vmem>>, vector<1024xi32>
      tpu.vector_store %arg5[%swap3A], %convert_element_type3A_34 {strides = array<i32>} : memref<1024xi32, #tpu.memory_space<vmem>>, vector<1024xi32>,
      %convert_element_type3A_36 = arith.fptosi %reduce_sum3A_33 : vector<1024xf32> to vector<1024xi32>
      %swap3A_37 = arith.constant 0 : index
      %swap3A_38 = vector.load %arg6[%swap3A_37] : memref<1024xi32, #tpu.memory_space<vmem>>, vector<1024xi32>
      tpu.vector_store %arg6[%swap3A_37], %convert_element_type3A_36 {strides = array<i32>} : memref<1024xi32, #tpu.memory_space<vmem>>, vector<1024xi32>,
    } else {
    }
    return
  }
  func.func @transform_0(%arg0: i32) -> (i32, i32) {
    %min3A = arith.constant 1 : i32
    %min3A_0 = arith.minsi %arg0, %min3A : i32
    %c0_i32 = arith.constant 0 : i32
    %c0_i32_1 = arith.constant 0 : i32
    return %min3A_0, %c0_i32 : i32, i32
  }
  func.func @transform_1(%arg0: i32) -> (i32, i32) {
    %min3A = arith.constant 1 : i32
    %min3A_0 = arith.minsi %arg0, %min3A : i32
    %c0_i32 = arith.constant 0 : i32
    %c0_i32_1 = arith.constant 0 : i32
    return %min3A_0, %c0_i32 : i32, i32
  }
  func.func @transform_2(%arg0: i32) -> (i32, i32) {
    %c0_i32 = arith.constant 0 : i32
    %c0_i32_0 = arith.constant 0 : i32
    %c0_i32_1 = arith.constant 0 : i32
    return %c0_i32, %c0_i32_0 : i32, i32
  }
  func.func @transform_3(%arg0: i32) -> (i32, i32) {
    %min3A = arith.constant 1 : i32
    %min3A_0 = arith.minsi %arg0, %min3A : i32
    %c0_i32 = arith.constant 0 : i32
    %c0_i32_1 = arith.constant 0 : i32
    return %min3A_0, %c0_i32 : i32, i32
  }
  func.func @transform_4(%arg0: i32) -> i32 {
    %sub3A = arith.constant 2 : i32
    %sub3A_0 = arith.subi %arg0, %sub3A : i32
    %max3A = arith.constant 0 : i32
    %max3A_1 = arith.maxsi %sub3A_0, %max3A : i32
    %c0_i32 = arith.constant 0 : i32
    return %max3A_1 : i32
  }
  func.func @transform_5(%arg0: i32) -> i32 {
    %sub3A = arith.constant 2 : i32
    %sub3A_0 = arith.subi %arg0, %sub3A : i32
    %max3A = arith.constant 0 : i32
    %max3A_1 = arith.maxsi %sub3A_0, %max3A : i32
    %c0_i32 = arith.constant 0 : i32
    return %max3A_1 : i32
  }
  func.func @transform_6(%arg0: i32) -> (i32, i32) {
    %c0_i32 = arith.constant 0 : i32
    %c0_i32_0 = arith.constant 0 : i32
    %c0_i32_1 = arith.constant 0 : i32
    return %c0_i32, %c0_i32_0 : i32, i32
  }
  func.func @transform_7(%arg0: i32) -> (i32, i32) {
    %min3A = arith.constant 1 : i32
    %min3A_0 = arith.minsi %arg0, %min3A : i32
    %c0_i32 = arith.constant 0 : i32
    %c0_i32_1 = arith.constant 0 : i32
    return %min3A_0, %c0_i32 : i32, i32
  }
  func.func @transform_8(%arg0: i32) -> (i32, i32) {
    %c0_i32 = arith.constant 0 : i32
    %c0_i32_0 = arith.constant 0 : i32
    %c0_i32_1 = arith.constant 0 : i32
    return %c0_i32, %c0_i32_0 : i32, i32
  }
}

module attributes {stable_mosaic.version = 14 : i64} {
  func.func @_epilogue_body(%arg0: i32, %arg1: memref<512x384xf32, #tpu.memory_space<vmem>>, %arg2: memref<512x384xf32, #tpu.memory_space<vmem>>, %arg3: memref<512x2xf32, #tpu.memory_space<vmem>>, %arg4: memref<512x768xf32, #tpu.memory_space<vmem>>) attributes {dimension_semantics = [#tpu.dimension_semantics<parallel>], iteration_bounds = array<i64: 4>, scalar_prefetch = 0 : i64, scratch_operands = 0 : i64, tpu.core_type = #tpu.core_type<tc>, window_params = [{transform_indices = @transform_0, window_bounds = array<i64: 512, 384>}, {transform_indices = @transform_1, window_bounds = array<i64: 512, 384>}, {transform_indices = @transform_2, window_bounds = array<i64: 512, 2>}, {transform_indices = @transform_3, window_bounds = array<i64: 512, 768>}]} {
    %get3A = arith.constant 0 : index
    %get3A_0 = arith.constant 0 : index
    %get3A_1 = vector.load %arg1[%get3A, %get3A_0] : memref<512x384xf32, #tpu.memory_space<vmem>>, vector<512x384xf32>
    %bitcast_convert_type3A = tpu.bitcast %get3A_1 : vector<512x384xf32> -> vector<512x384xi32>
    %and3A = arith.constant -65536 : i32
    %and3A_2 = vector.broadcast %and3A : i32 to vector<512x384xi32>
    %and3A_3 = arith.andi %bitcast_convert_type3A, %and3A_2 : vector<512x384xi32>
    %bitcast_convert_type3A_4 = tpu.bitcast %and3A_3 : vector<512x384xi32> -> vector<512x384xf32>
    %shift_left3A = arith.constant 16 : i32
    %shift_left3A_5 = vector.broadcast %shift_left3A : i32 to vector<512x384xi32>
    %shift_left3A_6 = arith.shli %bitcast_convert_type3A, %shift_left3A_5 : vector<512x384xi32>
    %bitcast_convert_type3A_7 = tpu.bitcast %shift_left3A_6 : vector<512x384xi32> -> vector<512x384xf32>
    %get3A_8 = arith.constant 0 : index
    %get3A_9 = arith.constant 0 : index
    %get3A_10 = vector.load %arg2[%get3A_8, %get3A_9] : memref<512x384xf32, #tpu.memory_space<vmem>>, vector<512x384xf32>
    %bitcast_convert_type3A_11 = tpu.bitcast %get3A_10 : vector<512x384xf32> -> vector<512x384xi32>
    %and3A_12 = arith.constant -65536 : i32
    %and3A_13 = vector.broadcast %and3A_12 : i32 to vector<512x384xi32>
    %and3A_14 = arith.andi %bitcast_convert_type3A_11, %and3A_13 : vector<512x384xi32>
    %bitcast_convert_type3A_15 = tpu.bitcast %and3A_14 : vector<512x384xi32> -> vector<512x384xf32>
    %shift_left3A_16 = arith.constant 16 : i32
    %shift_left3A_17 = vector.broadcast %shift_left3A_16 : i32 to vector<512x384xi32>
    %shift_left3A_18 = arith.shli %bitcast_convert_type3A_11, %shift_left3A_17 : vector<512x384xi32>
    %bitcast_convert_type3A_19 = tpu.bitcast %shift_left3A_18 : vector<512x384xi32> -> vector<512x384xf32>
    %get3A_20 = arith.constant 0 : index
    %get3A_21 = arith.constant 0 : index
    %get3A_22 = vector.load %arg3[%get3A_20, %get3A_21] : memref<512x2xf32, #tpu.memory_space<vmem>>, vector<512x1xf32>
    %get3A_23 = arith.constant 0 : index
    %get3A_24 = arith.constant 1 : index
    %get3A_25 = vector.load %arg3[%get3A_23, %get3A_24] : memref<512x2xf32, #tpu.memory_space<vmem>>, vector<512x1xf32>
    %exp3A = math.exp %bitcast_convert_type3A_7 : vector<512x384xf32>
    %mul3A = vector.broadcast %get3A_22 : vector<512x1xf32> to vector<512x384xf32>
    %mul3A_26 = arith.mulf %mul3A, %exp3A : vector<512x384xf32>
    %exp3A_27 = math.exp %bitcast_convert_type3A_19 : vector<512x384xf32>
    %mul3A_28 = vector.broadcast %get3A_25 : vector<512x1xf32> to vector<512x384xf32>
    %mul3A_29 = arith.mulf %mul3A_28, %exp3A_27 : vector<512x384xf32>
    %add3A = arith.addf %mul3A_26, %mul3A_29 : vector<512x384xf32>
    %exp3A_30 = math.exp %bitcast_convert_type3A_4 : vector<512x384xf32>
    %mul3A_31 = vector.broadcast %get3A_22 : vector<512x1xf32> to vector<512x384xf32>
    %mul3A_32 = arith.mulf %mul3A_31, %exp3A_30 : vector<512x384xf32>
    %exp3A_33 = math.exp %bitcast_convert_type3A_15 : vector<512x384xf32>
    %mul3A_34 = vector.broadcast %get3A_25 : vector<512x1xf32> to vector<512x384xf32>
    %mul3A_35 = arith.mulf %mul3A_34, %exp3A_33 : vector<512x384xf32>
    %add3A_36 = arith.addf %mul3A_32, %mul3A_35 : vector<512x384xf32>
    %eq3A = arith.constant 0.000000e+00 : f32
    %eq3A_37 = vector.broadcast %eq3A : f32 to vector<512x384xf32>
    %eq3A_38 = arith.cmpf oeq, %add3A, %eq3A_37 : vector<512x384xf32>
    %jit3A = arith.constant 2.22044605E-16 : f32
    %broadcast_in_dim3A = vector.broadcast %jit3A : f32 to vector<512x384xf32>
    %select_n3A = arith.select %eq3A_38, %broadcast_in_dim3A, %add3A : vector<512x384xi1>, vector<512x384xf32>
    %log3A = math.log %select_n3A : vector<512x384xf32>
    %swap3A = arith.constant 0 : index
    %swap3A_39 = arith.constant 0 : index
    %swap3A_40 = vector.load %arg4[%swap3A, %swap3A_39] : memref<512x768xf32, #tpu.memory_space<vmem>>, vector<512x384xf32>
    tpu.vector_store %arg4[%swap3A, %swap3A_39], %log3A {strides = array<i32>} : memref<512x768xf32, #tpu.memory_space<vmem>>, vector<512x384xf32>,
    %eq3A_41 = arith.constant 0.000000e+00 : f32
    %eq3A_42 = vector.broadcast %eq3A_41 : f32 to vector<512x384xf32>
    %eq3A_43 = arith.cmpf oeq, %add3A_36, %eq3A_42 : vector<512x384xf32>
    %jit3A_44 = arith.constant 2.22044605E-16 : f32
    %broadcast_in_dim3A_45 = vector.broadcast %jit3A_44 : f32 to vector<512x384xf32>
    %select_n3A_46 = arith.select %eq3A_43, %broadcast_in_dim3A_45, %add3A_36 : vector<512x384xi1>, vector<512x384xf32>
    %log3A_47 = math.log %select_n3A_46 : vector<512x384xf32>
    %swap3A_48 = arith.constant 0 : index
    %swap3A_49 = arith.constant 384 : index
    %swap3A_50 = vector.load %arg4[%swap3A_48, %swap3A_49] : memref<512x768xf32, #tpu.memory_space<vmem>>, vector<512x384xf32>
    tpu.vector_store %arg4[%swap3A_48, %swap3A_49], %log3A_47 {strides = array<i32>} : memref<512x768xf32, #tpu.memory_space<vmem>>, vector<512x384xf32>,
    return
  }
  func.func @transform_0(%arg0: i32) -> (i32, i32) {
    %c0_i32 = arith.constant 0 : i32
    %c0_i32_0 = arith.constant 0 : i32
    return %arg0, %c0_i32 : i32, i32
  }
  func.func @transform_1(%arg0: i32) -> (i32, i32) {
    %c0_i32 = arith.constant 0 : i32
    %c0_i32_0 = arith.constant 0 : i32
    return %arg0, %c0_i32 : i32, i32
  }
  func.func @transform_2(%arg0: i32) -> (i32, i32) {
    %c0_i32 = arith.constant 0 : i32
    %c0_i32_0 = arith.constant 0 : i32
    return %arg0, %c0_i32 : i32, i32
  }
  func.func @transform_3(%arg0: i32) -> (i32, i32) {
    %c0_i32 = arith.constant 0 : i32
    %c0_i32_0 = arith.constant 0 : i32
    return %arg0, %c0_i32 : i32, i32
  }
}

</mosaic_0001>

<sc_bundles>
// kernel: kernel.10.cloned.1.call-start
scs
__scs_entry_jumppad:
0x0: {  	(pc) =	sbr.rel $0x88, $3  }
0x1: {  	(tag) =	ssettag $0x0;
	lr =	simm.s32 $0x1  }
0x2: {  	[smem:$0x3F9A] =	sst lr;
	_ =	strace $0xD0000000  }
0x3: {  	_ = 	snop  }
0x4: {  	_ = 	snop  }
0x5: {  	_ = 	snop  }
0x6: {  	_ = 	snop  }
0x7: {  	_ = 	snop  }
__scs_overlays_trampoline_lowered:
0x8: {  	[smem:$0x3FA9] =	sst s0  }
0x9: {  	[smem:$0x3FAA] =	sst s1  }
0xa: {  	[smem:$0x3FAB] =	sst s2  }
0xb: {  	[smem:$0x3FAC] =	sst s3  }
0xc: {  	[smem:$0x3FAD] =	sst s4  }
0xd: {  	[smem:$0x3FAE] =	sst s5  }
0xe: {  	[smem:$0x3FAF] =	sst s6  }
0xf: {  	[smem:$0x3FB0] =	sst s7  }
0x10: {  	[smem:$0x3FB1] =	sst s8  }
0x11: {  	[smem:$0x3FB2] =	sst s9;
	s0 =	simm.s32 @!p0 $0x0  }
0x12: {  	s1 =	sld [smem:$0x3F98];
	s0 =	simm.s32 @p0 $0x1  }
0x13: {  	[smem:$0x3FB3] =	sst s0;
	s0 =	simm.s32 @!p1 $0x0  }
0x14: {  	s2 =	sld [smem:$0x3F97];
	s0 =	simm.s32 @p1 $0x1  }
0x15: {  	[smem:$0x3FB4] =	sst s0;
	s0 =	simm.s32 @!p2 $0x0  }
0x16: {  	s3 =	sld [smem:$0x3FDB];
	s0 =	simm.s32 @p2 $0x1  }
0x17: {  	s4 =	simm.s32 $0x1BF5;
	[smem:$0x3FB6] =	sst s0  }
0x18: {  	s0 =	sld [smem:$0x3F99];
	_ =	swait.ge [sflag:s4], $0x0  }
0x19: {  	s7 =	sld [smem:$0x3F9A]  }
0x1a: {  	s8 =	sadd.s32 $0xFFFFE003, lr  }
0x1b: {  	s9 =	sadd.s32 $0xFFFFFEF7, lr;
	s5 =	simm.s32 $0xFFFFFFFF;
	p2 =	slt.u32 s8, $0xFFFFF086  }
0x1c: {  	p1 =	slt.u32 s9, $0xF7A;
	s5 =	simm.s32 @!p2 $0x0  }
0x1d: {  	s5 =	simm.s32 @p1 $0x1;
	p0 =	seq.s32 s7, s2  }
0x1e: {  	s7 =	smul.u32 @!p0 $0xF7A, s2;
	p2 =	seq.s32 @!p0 s5, $0x0  }
0x1f: {  	s9 =	smul.u32 $0xF7A, s1;
	s8 =	simm.s32 @!p0 $0x1BF5;
	p2 =	por !p2, p0  }
0x20: {  	[sflag:s8] =	ssyncset.s32 @!p0 $0xFFFFF086;
	s6 =	sadd.s32 @!p0 s3, s7;
	s7 =	simm.s32 @!p0 $0x108  }
0x21: {  	s3 =	sadd.s32 s3, s9;
	s6 =	sadd.s32 @!p0 $0x88, s6;
	s7 =	simm.s32 @p2 $0x1082  }
0x22: {  	[simem:s7], [sflag:s8] =	dma.local @!p0 [hbm:s6], $0xF7A  }
0x23: {  	s9 =	sor.u32 $0xD0000000, s2;
	s6 =	simm.s32 $0x108;
	_ =	swait.ge @!p0 [sflag:s8], $0x0  }
0x24: {  	s3 =	sadd.s32 $0x88, s3;
	s6 =	simm.s32 @!p1 $0x1082;
	[sflag:s4] =	ssyncset.s32 $0xFFFFF086  }
0x25: {  	[simem:s6], [sflag:s4] =	dma.local [hbm:s3], $0xF7A  }
0x26: {  	[smem:$0x3F9A] =	sst s1;
	(tag) =	ssettag s2;
	_ =	strace s9  }
0x27: {  	s1 =	sld [smem:$0x3FAA]  }
0x28: {  	s2 =	sld [smem:$0x3FAB]  }
0x29: {  	s4 =	sld [smem:$0x3FAD]  }
0x2a: {  	p0 =	seq.s32 s5, $0x0;
	s5 =	sld [smem:$0x3FAE]  }
0x2b: {  	s6 =	sld [smem:$0x3FAF]  }
0x2c: {  	s7 =	sld [smem:$0x3FB0]  }
0x2d: {  	s3 =	simm.s32 $0x108;
	s8 =	sld [smem:$0x3FB1]  }
0x2e: {  	s3 =	simm.s32 @!p0 $0x1082;
	s9 =	sld [smem:$0x3FB2]  }
0x2f: {  	lr =	sadd.s32 s0, s3;
	s0 =	sld [smem:$0x3FA9]  }
0x30: {  	s3 =	sld [smem:$0x3FAC]  }
0x31: {  	[smem:$0x3FB5] =	sst s10  }
0x32: {  	s10 =	sld [smem:$0x3FB3];
	_ =	sdelay $0x3  }
0x33: {  	p0 =	seq.s32 s10, $0x1;
	s10 =	sld [smem:$0x3FB5];
	_ =	sdelay $0x3  }
0x34: {  	[smem:$0x3FB5] =	sst s10  }
0x35: {  	s10 =	sld [smem:$0x3FB4];
	_ =	sdelay $0x3  }
0x36: {  	p1 =	seq.s32 s10, $0x1;
	s10 =	sld [smem:$0x3FB5];
	_ =	sdelay $0x3  }
0x37: {  	[smem:$0x3FB5] =	sst s10  }
0x38: {  	s10 =	sld [smem:$0x3FB6]  }
0x39: {  	_ = 	snop;
	(pc) =	sbr.ind lr, $3  }
0x3a: {  	_ = 	snop  }
0x3b: {  	_ = 	snop  }
0x3c: {  	p2 =	seq.s32 s10, $0x1;
	s10 =	sld [smem:$0x3FB5]  }
0x3d: {  	_ =	shalt  }
0x3e: {  	_ =	shalt  }
0x3f: {  	_ =	shalt  }
0x40: {  	_ =	shalt  }
0x41: {  	_ =	shalt  }
0x42: {  	_ =	shalt  }
0x43: {  	_ =	shalt  }
0x44: {  	_ =	shalt  }
0x45: {  	_ =	shalt  }
0x46: {  	_ =	shalt  }
0x47: {  	_ =	shalt  }
0x48: {  	_ =	shalt  }
0x49: {  	_ =	shalt  }
0x4a: {  	_ =	shalt  }
0x4b: {  	_ =	shalt  }
0x4c: {  	_ =	shalt  }
0x4d: {  	_ =	shalt  }
0x4e: {  	_ =	shalt  }
0x4f: {  	_ =	shalt  }
0x50: {  	_ =	shalt  }
0x51: {  	_ =	shalt  }
0x52: {  	_ =	shalt  }
0x53: {  	_ =	shalt  }
0x54: {  	_ =	shalt  }
0x55: {  	_ =	shalt  }
0x56: {  	_ =	shalt  }
0x57: {  	_ =	shalt  }
0x58: {  	_ =	shalt  }
0x59: {  	_ =	shalt  }
0x5a: {  	_ =	shalt  }
0x5b: {  	_ =	shalt  }
0x5c: {  	_ =	shalt  }
0x5d: {  	_ =	shalt  }
0x5e: {  	_ =	shalt  }
0x5f: {  	_ =	shalt  }
0x60: {  	_ =	shalt  }
0x61: {  	_ =	shalt  }
0x62: {  	_ =	shalt  }
0x63: {  	_ =	shalt  }
0x64: {  	_ =	shalt  }
0x65: {  	_ =	shalt  }
0x66: {  	_ =	shalt  }
0x67: {  	_ =	shalt  }
0x68: {  	_ =	shalt  }
0x69: {  	_ =	shalt  }
0x6a: {  	_ =	shalt  }
0x6b: {  	_ =	shalt  }
0x6c: {  	_ =	shalt  }
0x6d: {  	_ =	shalt  }
0x6e: {  	_ =	shalt  }
0x6f: {  	_ =	shalt  }
0x70: {  	_ =	shalt  }
0x71: {  	_ =	shalt  }
0x72: {  	_ =	shalt  }
0x73: {  	_ =	shalt  }
0x74: {  	_ =	shalt  }
0x75: {  	_ =	shalt  }
0x76: {  	_ =	shalt  }
0x77: {  	_ =	shalt  }
0x78: {  	_ =	shalt  }
0x79: {  	_ =	shalt  }
0x7a: {  	_ =	shalt  }
0x7b: {  	_ =	shalt  }
0x7c: {  	_ =	shalt  }
0x7d: {  	_ =	shalt  }
0x7e: {  	_ =	shalt  }
0x7f: {  	_ =	shalt  }
0x80: {  	_ =	shalt  }
0x81: {  	_ =	shalt  }
0x82: {  	_ =	shalt  }
0x83: {  	_ =	shalt  }
0x84: {  	_ =	shalt  }
0x85: {  	_ =	shalt  }
0x86: {  	_ =	shalt  }
0x87: {  	_ =	shalt  }
.Lfunc_end0:
.L_simem_size_0:
called_computation.1_lowered:
.L_overlay_start_0:
0x88: {  	s2 =	sld [smem:$0x3FD9]  }
0x89: {  	s3 =	sld [smem:$0x3FFE];
	_ =	sdelay $0x1  }
0x8a: {  	s1 =	srdreg.scid  }
0x8b: {  	s0 =	sand.u32 $0x1, s1  }
0x8c: {  	s17 =	sshll.u32 s0, $0xA;
	s2 =	sadd.s32 s3, s2  }
0x8d: {  	s2 =	sadd.s32 s2, s17  }
0x8e: {  	[smem:$0x3FC1] =	sst s2  }
0x8f: {  	_ = 	snop  }
0x90: {  	s2 =	sld [smem:$0x3FD0];
	(tm) =	ssettm $0x1  }
0x91: {  	s18 =	sld [smem:$0x3FFB];
	_ =	sdelay $0x3  }
0x92: {  	_ =	strace s18  }
0x93: {  	s3 =	sld [smem:$0x3FFC];
	_ =	sdelay $0x3  }
0x94: {  	_ =	strace s3  }
0x95: {  	s3 =	sld [smem:$0x3FFD];
	_ =	sdelay $0x3  }
0x96: {  	_ =	strace s3  }
0x97: {  	_ =	strace $0x8FFFFFFF  }
0x98: {  	s19 =	sld [smem:$0x3FDB];
	_ =	sdelay $0x1  }
0x99: {  	s4 =	simm.s32 $_scs_section_size  }
0x9a: {  	s5 =	simm.s32 $_size__tile_overlayer_lowered;
	s6 =	simm.s32 $_tile_overlayer_lowered  }
0x9b: {  	s22 =	simm.s32 $0x1BFF;
	s21 =	sshll.u32 s6, $0x1;
	s3 =	sadd.s32 s4, s19  }
0x9c: {  	s7 =	simm.s32 $0x0;
	s20 =	sshll.u32 s5, $0x1;
	s5 =	sadd.s32 s21, s3  }
0x9d: {  	[timem:s7], [sflag:s22] =	dma.local [hbm:s5], s20  }
0x9e: {  	_ =	swait.ge [sflag:s22], s20  }
0x9f: {  	s4 =	ssub.s32 $0x0, s20;
	[sflag:s22] =	ssyncset.done $0x0  }
0xa0: {  	[sflag:s22] =	ssyncadd.s32 s4;
	_ =	sdelay $0x1  }
0xa1: {  	s23 =	simm.s32 $0x1B8B  }
0xa2: {  	_ =	swait.ge [sflag:s23], $0x1  }
0xa3: {  	[sflag:s23] =	ssyncset.done $0x0  }
0xa4: {  	s25 =	simm.s32 $0x1B8E;
	s24 =	sld [smem:$0x3FFE];
	[sflag:s23] =	ssyncadd.s32 $0xFFFFFFFF  }
0xa5: {  	s26 =	simm.s32 $execute0_lowered;
	[smem:$0x3FD2] =	sst s25  }
0xa6: {  	s5 =	sshll.u32 s26, $0x1;
	_ =	strace $0x80000049;
	[dreg:$0x1] =	wrdreg $0xFFFFFFFF  }
0xa7: {  	s28 =	simm.s32 $_size_execute0_lowered;
	s3 =	sadd.s32 s3, s5;
	[dreg:$0x0] =	wrdreg $0x0  }
0xa8: {  	s5 =	sshll.u32 s28, $0x1;
	[dreg:$0x2] =	wrdreg s3  }
0xa9: {  	[dreg:$0x3] =	wrdreg s5  }
0xaa: {  	[dreg:$0x4] =	wrdreg $0xC0  }
0xab: {  	_ =	task [dreg:s7], $0x5FFFF  }
0xac: {  	[dreg:$0x1] =	wrdreg $0xFFFFFFFF  }
0xad: {  	[dreg:$0x0] =	wrdreg $0x60  }
0xae: {  	[dreg:$0x2] =	wrdreg s24  }
0xaf: {  	[dreg:$0x3] =	wrdreg s2  }
0xb0: {  	[dreg:$0x4] =	wrdreg $0x9  }
0xb1: {  	_ =	task.clear_ibuf [dreg:s7], $0x5FFFF;
	_ =	strace $0x90000049  }
0xb2: {  	s29 =	simm.s32 $0x9;
	_ =	strace $0x8000004B  }
0xb3: {  	_ =	swait.ge [sflag:s29], $0x1  }
0xb4: {  	[sflag:s29] =	ssyncadd.s32 $0xFFFFFFFF  }
0xb5: {  	_ =	strace $0x9000004B  }
0xb6: {  	_ =	sfence  }
0xb7: {  	s30 =	sld [smem:$0x0];
	_ =	sdelay $0x2  }
0xb8: {  	s31 =	sshll.u32 s1, $0xD;
	s1 =	sshrl.u32 s1, $0x2  }
0xb9: {  	s3 =	sand.u32 $0x4000, s31;
	s1 =	sadd.s32 s1, s30  }
0xba: {  	s0 =	sor.u32 s3, s0;
	s1 =	sshll.u32 s1, $0x11  }
0xbb: {  	s0 =	sor.u32 s1, s0  }
0xbc: {  	s0 =	sadd.s32 $0x8F2B, s0  }
0xbd: {  	[sflag:s0] =	ssyncadd.remote.s32 $0x1  }
0xbe: {  	_ =	sfence.sel $0xFFFF  }
0xbf: {  	[dreg:$0x0] =	wrdreg $0xFFFFFFFF;
	(pc) =	sbr.abs _section_cstart, $3  }
0xc0: {  	[dreg:$0x1] =	wrdreg $0xFFFFFFFF  }
0xc1: {  	_ =	task.clear_ibuf [dreg:s7], $0x2FFFF;
	_ =	strace $0x9FFFFFFF  }
0xc2: {  	(tm) =	ssettm $0x7FFFFFFF  }
0xc3: {  	_ =	shalt  }
tec
execute0_lowered:
.L_overlay_start_1:
0x0: {  	(tag) =	ssettag $0x1  }
0x1: {  	s1 =	srdreg.scid;
	s4 =	rddreg [dreg:$0x0]  }
0x2: {  	s0 =	stileid.u32;
	s3 =	rddreg [dreg:$0x1]  }
0x3: {  	s2 =	simm.s32 $0x0;
	s16 =	simm.s32 $0x80;
	s17 =	simm.s32 $0x900  }
0x4: {  	s18 =	simm.s32 $0xD00;
	s19 =	simm.s32 $0x1500;
	[smem:$0x7FF] =	sst s2  }
0x5: {  	s20 =	simm.s32 $0x1900;
	_ =	strace $0x8000004A;
	[dreg:$0x7] =	wrdreg s16  }
0x6: {  	s21 =	simm.s32 $0x2100;
	s23 =	simm.s32 $0x2500;
	[dreg:$0x8] =	wrdreg s17  }
0x7: {  	s24 =	simm.s32 $0x2D00;
	s25 =	simm.s32 $0x3100;
	[dreg:$0x9] =	wrdreg s18  }
0x8: {  	s26 =	simm.s32 $0x3900;
	s9 =	simm.s32 $0x4500;
	[dreg:$0xa] =	wrdreg s19  }
0x9: {  	s10 =	simm.s32 $0x4900;
	s11 =	simm.s32 $0x5100;
	[dreg:$0xb] =	wrdreg s20  }
0xa: {  	s12 =	simm.s32 $0x5500;
	s13 =	simm.s32 $0x5D00;
	[dreg:$0xc] =	wrdreg s21  }
0xb: {  	s28 =	simm.s32 $0xB100;
	s29 =	simm.s32 $0xB500;
	[dreg:$0xd] =	wrdreg s23  }
0xc: {  	s30 =	simm.s32 $0xBD00;
	s31 =	simm.s32 $0x1;
	[dreg:$0xe] =	wrdreg s24  }
0xd: {  	s1 =	sand.u32 $0x1, s1;
	s5 =	sshll.u32 s0, $0x4;
	[dreg:$0xf] =	wrdreg s25  }
0xe: {  	s6 =	sshll.u32 s1, $0x3;
	s1 =	ssub.s32 $0x2, s1;
	[dreg:$0x10] =	wrdreg s26  }
0xf: {  	s16 =	simm.s32 $0x6D00;
	s17 =	simm.s32 $0x7500;
	s18 =	simm.s32 $0x7900  }
0x10: {  	s19 =	simm.s32 $0x8100;
	s20 =	simm.s32 $0x8500;
	s21 =	simm.s32 $0x8D00  }
0x11: {  	s23 =	simm.s32 $0x9900;
	s24 =	simm.s32 $0x9D00;
	s5 =	sor.u32 s6, s5  }
0x12: {  	s25 =	simm.s32 $0xA500;
	s26 =	simm.s32 $0xA900;
	s6 =	sadd.s32 s5, s4  }
0x13: {  	s22 =	sshrl.u32 s1, $0x1;
	s5 =	smul.u32 $0x180, s5;
	s7 =	sadd.s32 $0x2400, s6  }
0x14: {  	s1 =	ssub.s32 s1, s22;
	s6 =	sadd.s32 $0x2600, s6;
	[dreg:$0x3] =	wrdreg s7  }
0x15: {  	s22 =	simm.s32 $0x9100;
	s14 =	sadd.s32 s5, s4;
	[dreg:$0x4] =	wrdreg s6  }
0x16: {  	s3 =	sadd.s32 s3, s5;
	s5 =	smax.u32 s1, $0x1;
	s6 =	simm.s32 $0x3  }
0x17: {  	v2 =	vlaneseq.u32;
	s7 =	simm.s32 $0x100;
	s1 =	simm.s32 $0x2;
	[dreg:$0x5] =	wrdreg s3  }
0x18: {  	vm0 =	vmmov $0xffff;
	vm1 =	vmmov $0xff;
	v1 =	vshrl.u32 v2, $0x3;
	s15 =	sadd.s32 $0x62800, s14;
	s3 =	sadd.s32 $0x2800, s4;
	s4 =	sadd.s32 $0x2900, s4  }
0x19: {  	v0 =	vand.u32 $0x7, v2;
	v2 =	vor.u32 $0x8, v2;
	v1 =	vmul.u32 $0x8, v1;
	s14 =	simm.s32 $0x6100;
	[dreg:$0x6] =	wrdreg s15;
	s15 =	simm.s32 $0x6900  }
.LBB2_1:
0x1a: {  	s0 =	rddreg [dreg:$0x3]  }
0x1b: {  	[tilespmem:s2], [sflag:$0x3] =	stream.linear.gather [hbm4b:s0+s2], $0x40, $0x38;
	[tilespmem:$0xC100] =	vst v63  }
0x1c: {  	_ =	swait.ge [sflag:s6], $0x40  }
0x1d: {  	s0 =	rddreg [dreg:$0x4];
	[sflag:s6] =	ssyncset.done $0x0  }
0x1e: {  	s8 =	rddreg [dreg:$0x7];
	[sflag:s6] =	ssyncadd.s32 $0xFFFFFFC0  }
0x1f: {  	[tilespmem:s8], [sflag:$0x3] =	stream.linear.gather [hbm4b:s0+s2], $0x40, $0x38;
	[tilespmem:$0xC100] =	vst v63  }
0x20: {  	_ =	swait.ge [sflag:s6], $0x40  }
0x21: {  	[sflag:s6] =	ssyncset.done $0x0  }
0x22: {  	[sflag:s6] =	ssyncadd.s32 $0xFFFFFFC0  }
0x23: {  	v3 =	vld [tilespmem:$0x0];
	_ =	sdelay $0x4  }
0x24: {  	v4 =	vshrl.u32 v3, $0x3  }
0x25: {  	v4 =	vmul.u32 $0x18, v4  }
0x26: {  	v3 =	vand.u32 $0x7, v3  }
0x27: {  	v3 =	vor.u32 v3, v4  }
0x28: {  	v4 =	vperm.xlane v3, v0;
	_ =	sdelay $0x1  }
0x29: {  	v4 =	vadd.s32 v1, v4;
	_ =	sdelay $0x1  }
0x2a: {  	v3 =	vperm.xlane v3, v2;
	_ =	sdelay $0x1  }
0x2b: {  	v3 =	vadd.s32 v1, v3  }
0x2c: {  	[tilespmem:s7], [sflag:$0x1] =	stream.indirect_vreg.gather [hbm4b:s3+s2], $0x80, v4, vm0, $0xb8;
	[tilespmem:$0xC100] =	vst v63  }
0x2d: {  	s0 =	rddreg [dreg:$0x8]  }
0x2e: {  	[tilespmem:s0], [sflag:$0x1] =	stream.indirect_vreg.gather [hbm4b:s4+s2], $0x80, v4, vm1, $0xb8;
	[tilespmem:$0xC100] =	vst v63  }
0x2f: {  	s8 =	rddreg [dreg:$0x9]  }
0x30: {  	[tilespmem:s8], [sflag:$0x1] =	stream.indirect_vreg.gather [hbm4b:s3+s2], $0x80, v3, vm0, $0xb8;
	[tilespmem:$0xC100] =	vst v63  }
0x31: {  	s0 =	rddreg [dreg:$0xa]  }
0x32: {  	[tilespmem:s0], [sflag:$0x1] =	stream.indirect_vreg.gather [hbm4b:s4+s2], $0x80, v3, vm1, $0xb8;
	[tilespmem:$0xC100] =	vst v63  }
0x33: {  	v3 =	vld [tilespmem:$0x10];
	_ =	sdelay $0x4  }
0x34: {  	v57 =	vshrl.u32 v3, $0x3  }
0x35: {  	v4 =	vmul.u32 $0x18, v57  }
0x36: {  	v3 =	vand.u32 $0x7, v3  }
0x37: {  	v3 =	vor.u32 v3, v4  }
0x38: {  	v4 =	vperm.xlane v3, v0;
	_ =	sdelay $0x1  }
0x39: {  	v4 =	vadd.s32 v1, v4;
	_ =	sdelay $0x1  }
0x3a: {  	v3 =	vperm.xlane v3, v2;
	_ =	sdelay $0x1  }
0x3b: {  	s0 =	rddreg [dreg:$0xb];
	v3 =	vadd.s32 v1, v3  }
0x3c: {  	[tilespmem:s0], [sflag:$0x1] =	stream.indirect_vreg.gather [hbm4b:s3+s2], $0x80, v4, vm0, $0xb8;
	[tilespmem:$0xC100] =	vst v63  }
0x3d: {  	s8 =	rddreg [dreg:$0xc]  }
0x3e: {  	[tilespmem:s8], [sflag:$0x1] =	stream.indirect_vreg.gather [hbm4b:s4+s2], $0x80, v4, vm1, $0xb8;
	[tilespmem:$0xC100] =	vst v63  }
0x3f: {  	s0 =	rddreg [dreg:$0xd]  }
0x40: {  	[tilespmem:s0], [sflag:$0x1] =	stream.indirect_vreg.gather [hbm4b:s3+s2], $0x80, v3, vm0, $0xb8;
	[tilespmem:$0xC100] =	vst v63  }
0x41: {  	s8 =	rddreg [dreg:$0xe]  }
0x42: {  	[tilespmem:s8], [sflag:$0x1] =	stream.indirect_vreg.gather [hbm4b:s4+s2], $0x80, v3, vm1, $0xb8;
	[tilespmem:$0xC100] =	vst v63  }
0x43: {  	v3 =	vld [tilespmem:$0x20];
	_ =	sdelay $0x4  }
0x44: {  	v58 =	vshrl.u32 v3, $0x3  }
0x45: {  	v4 =	vmul.u32 $0x18, v58  }
0x46: {  	v3 =	vand.u32 $0x7, v3  }
0x47: {  	v3 =	vor.u32 v3, v4  }
0x48: {  	v4 =	vperm.xlane v3, v0;
	_ =	sdelay $0x1  }
0x49: {  	v4 =	vadd.s32 v1, v4;
	_ =	sdelay $0x1  }
0x4a: {  	v3 =	vperm.xlane v3, v2;
	_ =	sdelay $0x1  }
0x4b: {  	s0 =	rddreg [dreg:$0xf];
	v3 =	vadd.s32 v1, v3  }
0x4c: {  	[tilespmem:s0], [sflag:$0x1] =	stream.indirect_vreg.gather [hbm4b:s3+s2], $0x80, v4, vm0, $0xb8;
	[tilespmem:$0xC100] =	vst v63  }
0x4d: {  	s8 =	rddreg [dreg:$0x10]  }
0x4e: {  	[tilespmem:s8], [sflag:$0x1] =	stream.indirect_vreg.gather [hbm4b:s4+s2], $0x80, v4, vm1, $0xb8;
	[tilespmem:$0xC100] =	vst v63  }
0x4f: {  	s8 =	simm.s32 $0x3D00  }
0x50: {  	[tilespmem:s8], [sflag:$0x1] =	stream.indirect_vreg.gather [hbm4b:s3+s2], $0x80, v3, vm0, $0xb8;
	[tilespmem:$0xC100] =	vst v63  }
0x51: {  	_ = 	snop  }
0x52: {  	[tilespmem:s9], [sflag:$0x1] =	stream.indirect_vreg.gather [hbm4b:s4+s2], $0x80, v3, vm1, $0xb8;
	[tilespmem:$0xC100] =	vst v63  }
0x53: {  	v3 =	vld [tilespmem:$0x30];
	_ =	sdelay $0x4  }
0x54: {  	v59 =	vshrl.u32 v3, $0x3  }
0x55: {  	v4 =	vmul.u32 $0x18, v59  }
0x56: {  	v3 =	vand.u32 $0x7, v3  }
0x57: {  	v3 =	vor.u32 v3, v4  }
0x58: {  	v4 =	vperm.xlane v3, v0;
	_ =	sdelay $0x1  }
0x59: {  	v4 =	vadd.s32 v1, v4;
	_ =	sdelay $0x1  }
0x5a: {  	v3 =	vperm.xlane v3, v2;
	_ =	sdelay $0x1  }
0x5b: {  	v3 =	vadd.s32 v1, v3  }
0x5c: {  	[tilespmem:s10], [sflag:$0x1] =	stream.indirect_vreg.gather [hbm4b:s3+s2], $0x80, v4, vm0, $0xb8;
	[tilespmem:$0xC100] =	vst v63  }
0x5d: {  	_ = 	snop  }
0x5e: {  	[tilespmem:s11], [sflag:$0x1] =	stream.indirect_vreg.gather [hbm4b:s4+s2], $0x80, v4, vm1, $0xb8;
	[tilespmem:$0xC100] =	vst v63  }
0x5f: {  	_ = 	snop  }
0x60: {  	[tilespmem:s12], [sflag:$0x1] =	stream.indirect_vreg.gather [hbm4b:s3+s2], $0x80, v3, vm0, $0xb8;
	[tilespmem:$0xC100] =	vst v63  }
0x61: {  	_ = 	snop  }
0x62: {  	[tilespmem:s13], [sflag:$0x1] =	stream.indirect_vreg.gather [hbm4b:s4+s2], $0x80, v3, vm1, $0xb8;
	[tilespmem:$0xC100] =	vst v63  }
0x63: {  	v3 =	vld [tilespmem:$0x80];
	_ =	sdelay $0x4  }
0x64: {  	v60 =	vshrl.u32 v3, $0x3  }
0x65: {  	v4 =	vmul.u32 $0x18, v60  }
0x66: {  	v3 =	vand.u32 $0x7, v3  }
0x67: {  	v3 =	vor.u32 v3, v4  }
0x68: {  	v4 =	vperm.xlane v3, v0;
	_ =	sdelay $0x1  }
0x69: {  	v4 =	vadd.s32 v1, v4;
	_ =	sdelay $0x1  }
0x6a: {  	v3 =	vperm.xlane v3, v2;
	_ =	sdelay $0x1  }
0x6b: {  	v3 =	vadd.s32 v1, v3  }
0x6c: {  	[tilespmem:s14], [sflag:$0x2] =	stream.indirect_vreg.gather [hbm4b:s3+s2], $0x80, v4, vm0, $0xb8;
	[tilespmem:$0xC100] =	vst v63  }
0x6d: {  	_ = 	snop  }
0x6e: {  	[tilespmem:s15], [sflag:$0x2] =	stream.indirect_vreg.gather [hbm4b:s4+s2], $0x80, v4, vm1, $0xb8;
	[tilespmem:$0xC100] =	vst v63  }
0x6f: {  	_ = 	snop  }
0x70: {  	[tilespmem:s16], [sflag:$0x2] =	stream.indirect_vreg.gather [hbm4b:s3+s2], $0x80, v3, vm0, $0xb8;
	[tilespmem:$0xC100] =	vst v63  }
0x71: {  	_ = 	snop  }
0x72: {  	[tilespmem:s17], [sflag:$0x2] =	stream.indirect_vreg.gather [hbm4b:s4+s2], $0x80, v3, vm1, $0xb8;
	[tilespmem:$0xC100] =	vst v63  }
0x73: {  	v3 =	vld [tilespmem:$0x90];
	_ =	sdelay $0x4  }
0x74: {  	v61 =	vshrl.u32 v3, $0x3  }
0x75: {  	v4 =	vmul.u32 $0x18, v61  }
0x76: {  	v3 =	vand.u32 $0x7, v3  }
0x77: {  	v3 =	vor.u32 v3, v4  }
0x78: {  	v4 =	vperm.xlane v3, v0;
	_ =	sdelay $0x1  }
0x79: {  	v4 =	vadd.s32 v1, v4;
	_ =	sdelay $0x1  }
0x7a: {  	v3 =	vperm.xlane v3, v2;
	_ =	sdelay $0x1  }
0x7b: {  	v3 =	vadd.s32 v1, v3  }
0x7c: {  	[tilespmem:s18], [sflag:$0x2] =	stream.indirect_vreg.gather [hbm4b:s3+s2], $0x80, v4, vm0, $0xb8;
	[tilespmem:$0xC100] =	vst v63  }
0x7d: {  	_ = 	snop  }
0x7e: {  	[tilespmem:s19], [sflag:$0x2] =	stream.indirect_vreg.gather [hbm4b:s4+s2], $0x80, v4, vm1, $0xb8;
	[tilespmem:$0xC100] =	vst v63  }
0x7f: {  	_ = 	snop  }
0x80: {  	[tilespmem:s20], [sflag:$0x2] =	stream.indirect_vreg.gather [hbm4b:s3+s2], $0x80, v3, vm0, $0xb8;
	[tilespmem:$0xC100] =	vst v63  }
0x81: {  	_ = 	snop  }
0x82: {  	[tilespmem:s21], [sflag:$0x2] =	stream.indirect_vreg.gather [hbm4b:s4+s2], $0x80, v3, vm1, $0xb8;
	[tilespmem:$0xC100] =	vst v63  }
0x83: {  	v3 =	vld [tilespmem:$0xA0];
	_ =	sdelay $0x4  }
0x84: {  	v62 =	vshrl.u32 v3, $0x3  }
0x85: {  	v4 =	vmul.u32 $0x18, v62  }
0x86: {  	v3 =	vand.u32 $0x7, v3  }
0x87: {  	v3 =	vor.u32 v3, v4  }
0x88: {  	v4 =	vperm.xlane v3, v0;
	_ =	sdelay $0x1  }
0x89: {  	v4 =	vadd.s32 v1, v4;
	_ =	sdelay $0x1  }
0x8a: {  	v3 =	vperm.xlane v3, v2;
	_ =	sdelay $0x1  }
0x8b: {  	v3 =	vadd.s32 v1, v3  }
0x8c: {  	[tilespmem:s22], [sflag:$0x2] =	stream.indirect_vreg.gather [hbm4b:s3+s2], $0x80, v4, vm0, $0xb8;
	[tilespmem:$0xC100] =	vst v63  }
0x8d: {  	_ = 	snop  }
0x8e: {  	[tilespmem:s23], [sflag:$0x2] =	stream.indirect_vreg.gather [hbm4b:s4+s2], $0x80, v4, vm1, $0xb8;
	[tilespmem:$0xC100] =	vst v63  }
0x8f: {  	_ = 	snop  }
0x90: {  	[tilespmem:s24], [sflag:$0x2] =	stream.indirect_vreg.gather [hbm4b:s3+s2], $0x80, v3, vm0, $0xb8;
	[tilespmem:$0xC100] =	vst v63  }
0x91: {  	_ = 	snop  }
0x92: {  	[tilespmem:s25], [sflag:$0x2] =	stream.indirect_vreg.gather [hbm4b:s4+s2], $0x80, v3, vm1, $0xb8;
	[tilespmem:$0xC100] =	vst v63  }
0x93: {  	v3 =	vld [tilespmem:$0xB0];
	_ =	sdelay $0x4  }
0x94: {  	v63 =	vshrl.u32 v3, $0x3  }
0x95: {  	v4 =	vmul.u32 $0x18, v63  }
0x96: {  	v3 =	vand.u32 $0x7, v3  }
0x97: {  	v3 =	vor.u32 v3, v4  }
0x98: {  	v4 =	vperm.xlane v3, v0;
	_ =	sdelay $0x1  }
0x99: {  	v4 =	vadd.s32 v1, v4;
	_ =	sdelay $0x1  }
0x9a: {  	v3 =	vperm.xlane v3, v2;
	_ =	sdelay $0x1  }
0x9b: {  	v3 =	vadd.s32 v1, v3  }
0x9c: {  	[tilespmem:s26], [sflag:$0x2] =	stream.indirect_vreg.gather [hbm4b:s3+s2], $0x80, v4, vm0, $0xb8;
	[tilespmem:$0xC100] =	vst v63  }
0x9d: {  	_ = 	snop  }
0x9e: {  	[tilespmem:s28], [sflag:$0x2] =	stream.indirect_vreg.gather [hbm4b:s4+s2], $0x80, v4, vm1, $0xb8;
	[tilespmem:$0xC100] =	vst v63  }
0x9f: {  	_ = 	snop  }
0xa0: {  	[tilespmem:s29], [sflag:$0x2] =	stream.indirect_vreg.gather [hbm4b:s3+s2], $0x80, v3, vm0, $0xb8;
	[tilespmem:$0xC100] =	vst v63  }
0xa1: {  	_ = 	snop  }
0xa2: {  	[tilespmem:s30], [sflag:$0x2] =	stream.indirect_vreg.gather [hbm4b:s4+s2], $0x80, v3, vm1, $0xb8;
	[tilespmem:$0xC100] =	vst v63  }
0xa3: {  	_ =	swait.ge [sflag:s31], $0x6000  }
0xa4: {  	[sflag:s31] =	ssyncset.done $0x0  }
0xa5: {  	s8 =	rddreg [dreg:$0x5];
	[sflag:s31] =	ssyncadd.s32 $0xFFFFA000  }
0xa6: {  	[hbm4b:s8+s2] =	stream.linear.scatter [tilespmem:s7], [sflag:$0x3], $0x6000, $0x38;
	[tilespmem:$0xC100] =	vst v63  }
0xa7: {  	_ =	swait.ge [sflag:s6], $0x6000  }
0xa8: {  	[sflag:s6] =	ssyncset.done $0x0  }
0xa9: {  	[sflag:s6] =	ssyncadd.s32 $0xFFFFA000  }
0xaa: {  	_ =	swait.ge [sflag:s1], $0x6000  }
0xab: {  	p0 =	sne.s32 s5, $0x1;
	[sflag:s1] =	ssyncset.done $0x0  }
.Ltmp0:
0xac: {  	s8 =	rddreg [dreg:$0x6];
	[sflag:s1] =	ssyncadd.s32 $0xFFFFA000;
	(pc) =	sbr.rel @p0 .LBB2_1-.Ltmp0, $4  }
0xad: {  	[hbm4b:s8+s2] =	stream.linear.scatter [tilespmem:s14], [sflag:$0x3], $0x6000, $0x38;
	[tilespmem:$0xC100] =	vst v63  }
0xae: {  	_ =	swait.ge [sflag:s6], $0x6000  }
0xaf: {  	[sflag:s6] =	ssyncset.done $0x0  }
0xb0: {  	s5 =	sadd.s32 $0xFFFFFFFF, s5;
	[sflag:s6] =	ssyncadd.s32 $0xFFFFA000  }
0xb1: {  	_ =	sfence.sel $0x180000  }
0xb2: {  	[bflag:$0x0] =	sbarrier.arrive $0xFFFF  }
0xb3: {  	_ =	strace $0x9000004A  }
0xb4: {  	s0 =	stileid.u32;
	[bflag:$0x2] =	sbarrier.arrive $0xFFFF  }
0xb5: {  	p0 =	sne.s32 s0, $0x0;
	s0 =	rddreg [dreg:$0x2]  }
0xb6: {  	s0 =	sadd.s32 @!p0 $0x100000, s0  }
0xb7: {  	[sflag:s0] =	ssyncadd.tile.s32 @!p0 $0x1;
	_ =	shalt  }
.Lfunc_end2:
_tile_overlayer_lowered:
.L_overlay_start_2:
0xb8: {  	(tag) =	ssettag $0x2  }
0xb9: {  	s0 =	rddreg [dreg:$0x0];
	s2 =	stileid.u32  }
0xba: {  	s1 =	rddreg [dreg:$0x1];
	p0 =	sne.s32 s2, $0x0  }
0xbb: {  	s3 =	rddreg [dreg:$0x2];
	[bflag:$0x3] =	sbarrier.arrive $0xFFFF;
	s2 =	simm.s32 @!p0 $0x1C03  }
0xbc: {  	[timem:s3], [sflag:s2] =	dma.local @!p0 [hbm:s0], s1  }
0xbd: {  	s0 =	simm.s32 @!p0 $0x3  }
0xbe: {  	_ =	swait.ge @!p0 [sflag:s0], s1  }
0xbf: {  	s1 =	ssub.s32 @!p0 $0x0, s1;
	[sflag:s0] =	ssyncset.done @!p0 $0x0  }
0xc0: {  	[sflag:s0] =	ssyncadd.s32 @!p0 s1  }
0xc1: {  	[bflag:$0x3] =	sbarrier.arrive $0xFFFF  }
0xc2: {  	_ =	shalt  }

// kernel: kernel.7.cloned.1.call-start
scs
__scs_entry_jumppad:
0x0: {  	(pc) =	sbr.rel $0x88, $3  }
0x1: {  	(tag) =	ssettag $0x0;
	lr =	simm.s32 $0x1  }
0x2: {  	[smem:$0x3F9A] =	sst lr;
	_ =	strace $0xD0000000  }
0x3: {  	_ = 	snop  }
0x4: {  	_ = 	snop  }
0x5: {  	_ = 	snop  }
0x6: {  	_ = 	snop  }
0x7: {  	_ = 	snop  }
__scs_overlays_trampoline_lowered:
0x8: {  	[smem:$0x3FA9] =	sst s0  }
0x9: {  	[smem:$0x3FAA] =	sst s1  }
0xa: {  	[smem:$0x3FAB] =	sst s2  }
0xb: {  	[smem:$0x3FAC] =	sst s3  }
0xc: {  	[smem:$0x3FAD] =	sst s4  }
0xd: {  	[smem:$0x3FAE] =	sst s5  }
0xe: {  	[smem:$0x3FAF] =	sst s6  }
0xf: {  	[smem:$0x3FB0] =	sst s7  }
0x10: {  	[smem:$0x3FB1] =	sst s8  }
0x11: {  	[smem:$0x3FB2] =	sst s9;
	s0 =	simm.s32 @!p0 $0x0  }
0x12: {  	s1 =	sld [smem:$0x3F98];
	s0 =	simm.s32 @p0 $0x1  }
0x13: {  	[smem:$0x3FB3] =	sst s0;
	s0 =	simm.s32 @!p1 $0x0  }
0x14: {  	s2 =	sld [smem:$0x3F97];
	s0 =	simm.s32 @p1 $0x1  }
0x15: {  	[smem:$0x3FB4] =	sst s0;
	s0 =	simm.s32 @!p2 $0x0  }
0x16: {  	s3 =	sld [smem:$0x3FDB];
	s0 =	simm.s32 @p2 $0x1  }
0x17: {  	s4 =	simm.s32 $0x1BF5;
	[smem:$0x3FB6] =	sst s0  }
0x18: {  	s0 =	sld [smem:$0x3F99];
	_ =	swait.ge [sflag:s4], $0x0  }
0x19: {  	s7 =	sld [smem:$0x3F9A]  }
0x1a: {  	s8 =	sadd.s32 $0xFFFFE003, lr  }
0x1b: {  	s9 =	sadd.s32 $0xFFFFFEF7, lr;
	s5 =	simm.s32 $0xFFFFFFFF;
	p2 =	slt.u32 s8, $0xFFFFF086  }
0x1c: {  	p1 =	slt.u32 s9, $0xF7A;
	s5 =	simm.s32 @!p2 $0x0  }
0x1d: {  	s5 =	simm.s32 @p1 $0x1;
	p0 =	seq.s32 s7, s2  }
0x1e: {  	s7 =	smul.u32 @!p0 $0xF7A, s2;
	p2 =	seq.s32 @!p0 s5, $0x0  }
0x1f: {  	s9 =	smul.u32 $0xF7A, s1;
	s8 =	simm.s32 @!p0 $0x1BF5;
	p2 =	por !p2, p0  }
0x20: {  	[sflag:s8] =	ssyncset.s32 @!p0 $0xFFFFF086;
	s6 =	sadd.s32 @!p0 s3, s7;
	s7 =	simm.s32 @!p0 $0x108  }
0x21: {  	s3 =	sadd.s32 s3, s9;
	s6 =	sadd.s32 @!p0 $0x88, s6;
	s7 =	simm.s32 @p2 $0x1082  }
0x22: {  	[simem:s7], [sflag:s8] =	dma.local @!p0 [hbm:s6], $0xF7A  }
0x23: {  	s9 =	sor.u32 $0xD0000000, s2;
	s6 =	simm.s32 $0x108;
	_ =	swait.ge @!p0 [sflag:s8], $0x0  }
0x24: {  	s3 =	sadd.s32 $0x88, s3;
	s6 =	simm.s32 @!p1 $0x1082;
	[sflag:s4] =	ssyncset.s32 $0xFFFFF086  }
0x25: {  	[simem:s6], [sflag:s4] =	dma.local [hbm:s3], $0xF7A  }
0x26: {  	[smem:$0x3F9A] =	sst s1;
	(tag) =	ssettag s2;
	_ =	strace s9  }
0x27: {  	s1 =	sld [smem:$0x3FAA]  }
0x28: {  	s2 =	sld [smem:$0x3FAB]  }
0x29: {  	s4 =	sld [smem:$0x3FAD]  }
0x2a: {  	p0 =	seq.s32 s5, $0x0;
	s5 =	sld [smem:$0x3FAE]  }
0x2b: {  	s6 =	sld [smem:$0x3FAF]  }
0x2c: {  	s7 =	sld [smem:$0x3FB0]  }
0x2d: {  	s3 =	simm.s32 $0x108;
	s8 =	sld [smem:$0x3FB1]  }
0x2e: {  	s3 =	simm.s32 @!p0 $0x1082;
	s9 =	sld [smem:$0x3FB2]  }
0x2f: {  	lr =	sadd.s32 s0, s3;
	s0 =	sld [smem:$0x3FA9]  }
0x30: {  	s3 =	sld [smem:$0x3FAC]  }
0x31: {  	[smem:$0x3FB5] =	sst s10  }
0x32: {  	s10 =	sld [smem:$0x3FB3];
	_ =	sdelay $0x3  }
0x33: {  	p0 =	seq.s32 s10, $0x1;
	s10 =	sld [smem:$0x3FB5];
	_ =	sdelay $0x3  }
0x34: {  	[smem:$0x3FB5] =	sst s10  }
0x35: {  	s10 =	sld [smem:$0x3FB4];
	_ =	sdelay $0x3  }
0x36: {  	p1 =	seq.s32 s10, $0x1;
	s10 =	sld [smem:$0x3FB5];
	_ =	sdelay $0x3  }
0x37: {  	[smem:$0x3FB5] =	sst s10  }
0x38: {  	s10 =	sld [smem:$0x3FB6]  }
0x39: {  	_ = 	snop;
	(pc) =	sbr.ind lr, $3  }
0x3a: {  	_ = 	snop  }
0x3b: {  	_ = 	snop  }
0x3c: {  	p2 =	seq.s32 s10, $0x1;
	s10 =	sld [smem:$0x3FB5]  }
0x3d: {  	_ =	shalt  }
0x3e: {  	_ =	shalt  }
0x3f: {  	_ =	shalt  }
0x40: {  	_ =	shalt  }
0x41: {  	_ =	shalt  }
0x42: {  	_ =	shalt  }
0x43: {  	_ =	shalt  }
0x44: {  	_ =	shalt  }
0x45: {  	_ =	shalt  }
0x46: {  	_ =	shalt  }
0x47: {  	_ =	shalt  }
0x48: {  	_ =	shalt  }
0x49: {  	_ =	shalt  }
0x4a: {  	_ =	shalt  }
0x4b: {  	_ =	shalt  }
0x4c: {  	_ =	shalt  }
0x4d: {  	_ =	shalt  }
0x4e: {  	_ =	shalt  }
0x4f: {  	_ =	shalt  }
0x50: {  	_ =	shalt  }
0x51: {  	_ =	shalt  }
0x52: {  	_ =	shalt  }
0x53: {  	_ =	shalt  }
0x54: {  	_ =	shalt  }
0x55: {  	_ =	shalt  }
0x56: {  	_ =	shalt  }
0x57: {  	_ =	shalt  }
0x58: {  	_ =	shalt  }
0x59: {  	_ =	shalt  }
0x5a: {  	_ =	shalt  }
0x5b: {  	_ =	shalt  }
0x5c: {  	_ =	shalt  }
0x5d: {  	_ =	shalt  }
0x5e: {  	_ =	shalt  }
0x5f: {  	_ =	shalt  }
0x60: {  	_ =	shalt  }
0x61: {  	_ =	shalt  }
0x62: {  	_ =	shalt  }
0x63: {  	_ =	shalt  }
0x64: {  	_ =	shalt  }
0x65: {  	_ =	shalt  }
0x66: {  	_ =	shalt  }
0x67: {  	_ =	shalt  }
0x68: {  	_ =	shalt  }
0x69: {  	_ =	shalt  }
0x6a: {  	_ =	shalt  }
0x6b: {  	_ =	shalt  }
0x6c: {  	_ =	shalt  }
0x6d: {  	_ =	shalt  }
0x6e: {  	_ =	shalt  }
0x6f: {  	_ =	shalt  }
0x70: {  	_ =	shalt  }
0x71: {  	_ =	shalt  }
0x72: {  	_ =	shalt  }
0x73: {  	_ =	shalt  }
0x74: {  	_ =	shalt  }
0x75: {  	_ =	shalt  }
0x76: {  	_ =	shalt  }
0x77: {  	_ =	shalt  }
0x78: {  	_ =	shalt  }
0x79: {  	_ =	shalt  }
0x7a: {  	_ =	shalt  }
0x7b: {  	_ =	shalt  }
0x7c: {  	_ =	shalt  }
0x7d: {  	_ =	shalt  }
0x7e: {  	_ =	shalt  }
0x7f: {  	_ =	shalt  }
0x80: {  	_ =	shalt  }
0x81: {  	_ =	shalt  }
0x82: {  	_ =	shalt  }
0x83: {  	_ =	shalt  }
0x84: {  	_ =	shalt  }
0x85: {  	_ =	shalt  }
0x86: {  	_ =	shalt  }
0x87: {  	_ =	shalt  }
.Lfunc_end0:
.L_simem_size_0:
called_computation_lowered:
.L_overlay_start_0:
0x88: {  	s2 =	sld [smem:$0x3FD9]  }
0x89: {  	s3 =	sld [smem:$0x3FFE];
	_ =	sdelay $0x1  }
0x8a: {  	s1 =	srdreg.scid  }
0x8b: {  	s0 =	sand.u32 $0x1, s1  }
0x8c: {  	s17 =	sshll.u32 s0, $0xA;
	s2 =	sadd.s32 s3, s2  }
0x8d: {  	s2 =	sadd.s32 s2, s17  }
0x8e: {  	[smem:$0x3FC1] =	sst s2  }
0x8f: {  	_ = 	snop  }
0x90: {  	s2 =	sld [smem:$0x3FD0];
	(tm) =	ssettm $0x1  }
0x91: {  	s18 =	sld [smem:$0x3FFB];
	_ =	sdelay $0x3  }
0x92: {  	_ =	strace s18  }
0x93: {  	s3 =	sld [smem:$0x3FFC];
	_ =	sdelay $0x3  }
0x94: {  	_ =	strace s3  }
0x95: {  	s3 =	sld [smem:$0x3FFD];
	_ =	sdelay $0x3  }
0x96: {  	_ =	strace s3  }
0x97: {  	_ =	strace $0x8FFFFFFF  }
0x98: {  	s19 =	sld [smem:$0x3FDB];
	_ =	sdelay $0x1  }
0x99: {  	s4 =	simm.s32 $_scs_section_size  }
0x9a: {  	s5 =	simm.s32 $_size__tile_overlayer_lowered;
	s6 =	simm.s32 $_tile_overlayer_lowered  }
0x9b: {  	s22 =	simm.s32 $0x1BFF;
	s21 =	sshll.u32 s6, $0x1;
	s3 =	sadd.s32 s4, s19  }
0x9c: {  	s7 =	simm.s32 $0x0;
	s20 =	sshll.u32 s5, $0x1;
	s5 =	sadd.s32 s21, s3  }
0x9d: {  	[timem:s7], [sflag:s22] =	dma.local [hbm:s5], s20  }
0x9e: {  	_ =	swait.ge [sflag:s22], s20  }
0x9f: {  	s4 =	ssub.s32 $0x0, s20;
	[sflag:s22] =	ssyncset.done $0x0  }
0xa0: {  	[sflag:s22] =	ssyncadd.s32 s4;
	_ =	sdelay $0x1  }
0xa1: {  	s23 =	simm.s32 $0x1B8B  }
0xa2: {  	_ =	swait.ge [sflag:s23], $0x1  }
0xa3: {  	[sflag:s23] =	ssyncset.done $0x0  }
0xa4: {  	s25 =	simm.s32 $0x1B8E;
	s24 =	sld [smem:$0x3FFE];
	[sflag:s23] =	ssyncadd.s32 $0xFFFFFFFF  }
0xa5: {  	s26 =	simm.s32 $execute0_lowered;
	[smem:$0x3FD2] =	sst s25  }
0xa6: {  	s5 =	sshll.u32 s26, $0x1;
	_ =	strace $0x80000046;
	[dreg:$0x1] =	wrdreg $0xFFFFFFFF  }
0xa7: {  	s28 =	simm.s32 $_size_execute0_lowered;
	s3 =	sadd.s32 s3, s5;
	[dreg:$0x0] =	wrdreg $0x0  }
0xa8: {  	s5 =	sshll.u32 s28, $0x1;
	[dreg:$0x2] =	wrdreg s3  }
0xa9: {  	[dreg:$0x3] =	wrdreg s5  }
0xaa: {  	[dreg:$0x4] =	wrdreg $0xC0  }
0xab: {  	_ =	task [dreg:s7], $0x5FFFF  }
0xac: {  	[dreg:$0x1] =	wrdreg $0xFFFFFFFF  }
0xad: {  	[dreg:$0x0] =	wrdreg $0x60  }
0xae: {  	[dreg:$0x2] =	wrdreg s2  }
0xaf: {  	[dreg:$0x3] =	wrdreg s24  }
0xb0: {  	[dreg:$0x4] =	wrdreg $0x9  }
0xb1: {  	_ =	task.clear_ibuf [dreg:s7], $0x5FFFF;
	_ =	strace $0x90000046  }
0xb2: {  	s29 =	simm.s32 $0x9;
	_ =	strace $0x80000048  }
0xb3: {  	_ =	swait.ge [sflag:s29], $0x1  }
0xb4: {  	[sflag:s29] =	ssyncadd.s32 $0xFFFFFFFF  }
0xb5: {  	_ =	strace $0x90000048  }
0xb6: {  	_ =	sfence  }
0xb7: {  	s30 =	sld [smem:$0x0];
	_ =	sdelay $0x2  }
0xb8: {  	s31 =	sshll.u32 s1, $0xD;
	s1 =	sshrl.u32 s1, $0x2  }
0xb9: {  	s3 =	sand.u32 $0x4000, s31;
	s1 =	sadd.s32 s1, s30  }
0xba: {  	s0 =	sor.u32 s3, s0;
	s1 =	sshll.u32 s1, $0x11  }
0xbb: {  	s0 =	sor.u32 s1, s0  }
0xbc: {  	s0 =	sadd.s32 $0x8F2B, s0  }
0xbd: {  	[sflag:s0] =	ssyncadd.remote.s32 $0x1  }
0xbe: {  	_ =	sfence.sel $0xFFFF  }
0xbf: {  	[dreg:$0x0] =	wrdreg $0xFFFFFFFF;
	(pc) =	sbr.abs _section_cstart, $3  }
0xc0: {  	[dreg:$0x1] =	wrdreg $0xFFFFFFFF  }
0xc1: {  	_ =	task.clear_ibuf [dreg:s7], $0x2FFFF;
	_ =	strace $0x9FFFFFFF  }
0xc2: {  	(tm) =	ssettm $0x7FFFFFFF  }
0xc3: {  	_ =	shalt  }
tec
execute0_lowered:
.L_overlay_start_1:
0x0: {  	(tag) =	ssettag $0x1  }
0x1: {  	s6 =	rddreg [dreg:$0x0]  }
0x2: {  	s7 =	rddreg [dreg:$0x1]  }
0x3: {  	s0 =	rddreg [dreg:$0x2];
	s3 =	srdreg.scid  }
0x4: {  	s2 =	simm.s32 $0x0;
	s1 =	stileid.u32;
	s11 =	simm.s32 $0x100  }
0x5: {  	s12 =	simm.s32 $0x900;
	s13 =	simm.s32 $0xD00;
	s14 =	simm.s32 $0x1500  }
0x6: {  	s15 =	simm.s32 $0x1900;
	s16 =	simm.s32 $0x2100;
	s17 =	simm.s32 $0x2500  }
0x7: {  	s18 =	simm.s32 $0x2D00;
	s19 =	simm.s32 $0x3100;
	s20 =	simm.s32 $0x3900  }
0x8: {  	s21 =	simm.s32 $0x3D00;
	s22 =	simm.s32 $0x4500;
	s23 =	simm.s32 $0x4900  }
0x9: {  	s24 =	simm.s32 $0x5100;
	s25 =	simm.s32 $0x5500;
	s26 =	simm.s32 $0x5D00  }
0xa: {  	s28 =	simm.s32 $0x1;
	s29 =	simm.s32 $0x2;
	s3 =	sand.u32 $0x1, s3  }
0xb: {  	[smem:$0x7FF] =	sst s2;
	s4 =	sshll.u32 s1, $0x4;
	s5 =	sshll.u32 s3, $0x3  }
0xc: {  	_ =	strace $0x80000047;
	s31 =	ssub.s32 $0x2, s3;
	s4 =	sor.u32 s5, s4  }
0xd: {  	s3 =	sadd.s32 $0x2800, s7;
	s9 =	sshrl.u32 s31, $0x1;
	s8 =	sadd.s32 s4, s7  }
0xe: {  	v2 =	vlaneseq.u32;
	s10 =	smul.u32 $0x180, s4;
	s9 =	ssub.s32 s31, s9;
	s7 =	sadd.s32 $0x2900, s7  }
0xf: {  	vm0 =	vmmov $0xffff;
	vm1 =	vmmov $0xff;
	v1 =	vshrl.u32 v2, $0x3;
	s4 =	sadd.s32 $0x2400, s8;
	s5 =	sadd.s32 $0x2600, s8;
	s8 =	smax.u32 s9, $0x1  }
0x10: {  	v0 =	vand.u32 $0x7, v2;
	v2 =	vor.u32 $0x8, v2;
	v1 =	vmul.u32 $0x8, v1;
	s9 =	simm.s32 $0x3;
	s6 =	sadd.s32 s6, s10;
	s10 =	simm.s32 $0x80  }
.LBB2_1:
0x11: {  	[tilespmem:s2], [sflag:$0x3] =	stream.linear.gather [hbm4b:s4+s2], $0x40, $0x38;
	[tilespmem:$0x6100] =	vst v63  }
0x12: {  	_ =	swait.ge [sflag:s9], $0x40  }
0x13: {  	[sflag:s9] =	ssyncset.done $0x0  }
0x14: {  	[sflag:s9] =	ssyncadd.s32 $0xFFFFFFC0  }
0x15: {  	[tilespmem:s10], [sflag:$0x3] =	stream.linear.gather [hbm4b:s5+s2], $0x40, $0x38;
	[tilespmem:$0x6100] =	vst v63  }
0x16: {  	_ =	swait.ge [sflag:s9], $0x40  }
0x17: {  	[sflag:s9] =	ssyncset.done $0x0  }
0x18: {  	[sflag:s9] =	ssyncadd.s32 $0xFFFFFFC0  }
0x19: {  	[tilespmem:s11], [sflag:$0x3] =	stream.linear.gather [hbm4b:s6+s2], $0x6000, $0x38;
	[tilespmem:$0x6100] =	vst v63  }
0x1a: {  	_ =	swait.ge [sflag:s9], $0x6000  }
0x1b: {  	[sflag:s9] =	ssyncset.done $0x0  }
0x1c: {  	[sflag:s9] =	ssyncadd.s32 $0xFFFFA000  }
0x1d: {  	v3 =	vld [tilespmem:$0x0];
	_ =	sdelay $0x4  }
0x1e: {  	v4 =	vshrl.u32 v3, $0x3  }
0x1f: {  	v4 =	vmul.u32 $0x18, v4  }
0x20: {  	v3 =	vand.u32 $0x7, v3  }
0x21: {  	v3 =	vor.u32 v3, v4  }
0x22: {  	v4 =	vperm.xlane v3, v0;
	_ =	sdelay $0x1  }
0x23: {  	v4 =	vadd.s32 v1, v4;
	_ =	sdelay $0x1  }
0x24: {  	v3 =	vperm.xlane v3, v2;
	_ =	sdelay $0x1  }
0x25: {  	v3 =	vadd.s32 v1, v3  }
0x26: {  	[hbm4b:s3+s2] =	stream.indirect_vreg.scatter [tilespmem:s11], [sflag:$0x1], $0x80, v4, vm0, $0xb8;
	[tilespmem:$0x6100] =	vst v63  }
0x27: {  	_ = 	snop  }
0x28: {  	[hbm4b:s7+s2] =	stream.indirect_vreg.scatter [tilespmem:s12], [sflag:$0x1], $0x80, v4, vm1, $0xb8;
	[tilespmem:$0x6100] =	vst v63  }
0x29: {  	_ = 	snop  }
0x2a: {  	[hbm4b:s3+s2] =	stream.indirect_vreg.scatter [tilespmem:s13], [sflag:$0x1], $0x80, v3, vm0, $0xb8;
	[tilespmem:$0x6100] =	vst v63  }
0x2b: {  	_ = 	snop  }
0x2c: {  	[hbm4b:s7+s2] =	stream.indirect_vreg.scatter [tilespmem:s14], [sflag:$0x1], $0x80, v3, vm1, $0xb8;
	[tilespmem:$0x6100] =	vst v63  }
0x2d: {  	v3 =	vld [tilespmem:$0x10];
	_ =	sdelay $0x4  }
0x2e: {  	v57 =	vshrl.u32 v3, $0x3  }
0x2f: {  	v4 =	vmul.u32 $0x18, v57  }
0x30: {  	v3 =	vand.u32 $0x7, v3  }
0x31: {  	v3 =	vor.u32 v3, v4  }
0x32: {  	v4 =	vperm.xlane v3, v0;
	_ =	sdelay $0x1  }
0x33: {  	v4 =	vadd.s32 v1, v4;
	_ =	sdelay $0x1  }
0x34: {  	v3 =	vperm.xlane v3, v2;
	_ =	sdelay $0x1  }
0x35: {  	v3 =	vadd.s32 v1, v3  }
0x36: {  	[hbm4b:s3+s2] =	stream.indirect_vreg.scatter [tilespmem:s15], [sflag:$0x1], $0x80, v4, vm0, $0xb8;
	[tilespmem:$0x6100] =	vst v63  }
0x37: {  	_ = 	snop  }
0x38: {  	[hbm4b:s7+s2] =	stream.indirect_vreg.scatter [tilespmem:s16], [sflag:$0x1], $0x80, v4, vm1, $0xb8;
	[tilespmem:$0x6100] =	vst v63  }
0x39: {  	_ = 	snop  }
0x3a: {  	[hbm4b:s3+s2] =	stream.indirect_vreg.scatter [tilespmem:s17], [sflag:$0x1], $0x80, v3, vm0, $0xb8;
	[tilespmem:$0x6100] =	vst v63  }
0x3b: {  	_ = 	snop  }
0x3c: {  	[hbm4b:s7+s2] =	stream.indirect_vreg.scatter [tilespmem:s18], [sflag:$0x1], $0x80, v3, vm1, $0xb8;
	[tilespmem:$0x6100] =	vst v63  }
0x3d: {  	v3 =	vld [tilespmem:$0x20];
	_ =	sdelay $0x4  }
0x3e: {  	v58 =	vshrl.u32 v3, $0x3  }
0x3f: {  	v4 =	vmul.u32 $0x18, v58  }
0x40: {  	v3 =	vand.u32 $0x7, v3  }
0x41: {  	v3 =	vor.u32 v3, v4  }
0x42: {  	v4 =	vperm.xlane v3, v0;
	_ =	sdelay $0x1  }
0x43: {  	v4 =	vadd.s32 v1, v4;
	_ =	sdelay $0x1  }
0x44: {  	v3 =	vperm.xlane v3, v2;
	_ =	sdelay $0x1  }
0x45: {  	v3 =	vadd.s32 v1, v3  }
0x46: {  	[hbm4b:s3+s2] =	stream.indirect_vreg.scatter [tilespmem:s19], [sflag:$0x1], $0x80, v4, vm0, $0xb8;
	[tilespmem:$0x6100] =	vst v63  }
0x47: {  	_ = 	snop  }
0x48: {  	[hbm4b:s7+s2] =	stream.indirect_vreg.scatter [tilespmem:s20], [sflag:$0x1], $0x80, v4, vm1, $0xb8;
	[tilespmem:$0x6100] =	vst v63  }
0x49: {  	_ = 	snop  }
0x4a: {  	[hbm4b:s3+s2] =	stream.indirect_vreg.scatter [tilespmem:s21], [sflag:$0x1], $0x80, v3, vm0, $0xb8;
	[tilespmem:$0x6100] =	vst v63  }
0x4b: {  	_ = 	snop  }
0x4c: {  	[hbm4b:s7+s2] =	stream.indirect_vreg.scatter [tilespmem:s22], [sflag:$0x1], $0x80, v3, vm1, $0xb8;
	[tilespmem:$0x6100] =	vst v63  }
0x4d: {  	v3 =	vld [tilespmem:$0x30];
	_ =	sdelay $0x4  }
0x4e: {  	v59 =	vshrl.u32 v3, $0x3  }
0x4f: {  	v4 =	vmul.u32 $0x18, v59  }
0x50: {  	v3 =	vand.u32 $0x7, v3  }
0x51: {  	v3 =	vor.u32 v3, v4  }
0x52: {  	v4 =	vperm.xlane v3, v0;
	_ =	sdelay $0x1  }
0x53: {  	v4 =	vadd.s32 v1, v4;
	_ =	sdelay $0x1  }
0x54: {  	v3 =	vperm.xlane v3, v2;
	_ =	sdelay $0x1  }
0x55: {  	v3 =	vadd.s32 v1, v3  }
0x56: {  	[hbm4b:s3+s2] =	stream.indirect_vreg.scatter [tilespmem:s23], [sflag:$0x1], $0x80, v4, vm0, $0xb8;
	[tilespmem:$0x6100] =	vst v63  }
0x57: {  	_ = 	snop  }
0x58: {  	[hbm4b:s7+s2] =	stream.indirect_vreg.scatter [tilespmem:s24], [sflag:$0x1], $0x80, v4, vm1, $0xb8;
	[tilespmem:$0x6100] =	vst v63  }
0x59: {  	_ = 	snop  }
0x5a: {  	[hbm4b:s3+s2] =	stream.indirect_vreg.scatter [tilespmem:s25], [sflag:$0x1], $0x80, v3, vm0, $0xb8;
	[tilespmem:$0x6100] =	vst v63  }
0x5b: {  	_ = 	snop  }
0x5c: {  	[hbm4b:s7+s2] =	stream.indirect_vreg.scatter [tilespmem:s26], [sflag:$0x1], $0x80, v3, vm1, $0xb8;
	[tilespmem:$0x6100] =	vst v63  }
0x5d: {  	v3 =	vld [tilespmem:$0x80];
	_ =	sdelay $0x4  }
0x5e: {  	v60 =	vshrl.u32 v3, $0x3  }
0x5f: {  	v4 =	vmul.u32 $0x18, v60  }
0x60: {  	v3 =	vand.u32 $0x7, v3  }
0x61: {  	v3 =	vor.u32 v3, v4  }
0x62: {  	v4 =	vperm.xlane v3, v0;
	_ =	sdelay $0x1  }
0x63: {  	v4 =	vadd.s32 v1, v4;
	_ =	sdelay $0x1  }
0x64: {  	v3 =	vperm.xlane v3, v2;
	_ =	sdelay $0x1  }
0x65: {  	v3 =	vadd.s32 v1, v3  }
0x66: {  	[hbm4b:s3+s2] =	stream.indirect_vreg.scatter [tilespmem:s11], [sflag:$0x2], $0x80, v4, vm0, $0xb8;
	[tilespmem:$0x6100] =	vst v63  }
0x67: {  	_ = 	snop  }
0x68: {  	[hbm4b:s7+s2] =	stream.indirect_vreg.scatter [tilespmem:s12], [sflag:$0x2], $0x80, v4, vm1, $0xb8;
	[tilespmem:$0x6100] =	vst v63  }
0x69: {  	_ = 	snop  }
0x6a: {  	[hbm4b:s3+s2] =	stream.indirect_vreg.scatter [tilespmem:s13], [sflag:$0x2], $0x80, v3, vm0, $0xb8;
	[tilespmem:$0x6100] =	vst v63  }
0x6b: {  	_ = 	snop  }
0x6c: {  	[hbm4b:s7+s2] =	stream.indirect_vreg.scatter [tilespmem:s14], [sflag:$0x2], $0x80, v3, vm1, $0xb8;
	[tilespmem:$0x6100] =	vst v63  }
0x6d: {  	v3 =	vld [tilespmem:$0x90];
	_ =	sdelay $0x4  }
0x6e: {  	v61 =	vshrl.u32 v3, $0x3  }
0x6f: {  	v4 =	vmul.u32 $0x18, v61  }
0x70: {  	v3 =	vand.u32 $0x7, v3  }
0x71: {  	v3 =	vor.u32 v3, v4  }
0x72: {  	v4 =	vperm.xlane v3, v0;
	_ =	sdelay $0x1  }
0x73: {  	v4 =	vadd.s32 v1, v4;
	_ =	sdelay $0x1  }
0x74: {  	v3 =	vperm.xlane v3, v2;
	_ =	sdelay $0x1  }
0x75: {  	v3 =	vadd.s32 v1, v3  }
0x76: {  	[hbm4b:s3+s2] =	stream.indirect_vreg.scatter [tilespmem:s15], [sflag:$0x2], $0x80, v4, vm0, $0xb8;
	[tilespmem:$0x6100] =	vst v63  }
0x77: {  	_ = 	snop  }
0x78: {  	[hbm4b:s7+s2] =	stream.indirect_vreg.scatter [tilespmem:s16], [sflag:$0x2], $0x80, v4, vm1, $0xb8;
	[tilespmem:$0x6100] =	vst v63  }
0x79: {  	_ = 	snop  }
0x7a: {  	[hbm4b:s3+s2] =	stream.indirect_vreg.scatter [tilespmem:s17], [sflag:$0x2], $0x80, v3, vm0, $0xb8;
	[tilespmem:$0x6100] =	vst v63  }
0x7b: {  	_ = 	snop  }
0x7c: {  	[hbm4b:s7+s2] =	stream.indirect_vreg.scatter [tilespmem:s18], [sflag:$0x2], $0x80, v3, vm1, $0xb8;
	[tilespmem:$0x6100] =	vst v63  }
0x7d: {  	v3 =	vld [tilespmem:$0xA0];
	_ =	sdelay $0x4  }
0x7e: {  	v62 =	vshrl.u32 v3, $0x3  }
0x7f: {  	v4 =	vmul.u32 $0x18, v62  }
0x80: {  	v3 =	vand.u32 $0x7, v3  }
0x81: {  	v3 =	vor.u32 v3, v4  }
0x82: {  	v4 =	vperm.xlane v3, v0;
	_ =	sdelay $0x1  }
0x83: {  	v4 =	vadd.s32 v1, v4;
	_ =	sdelay $0x1  }
0x84: {  	v3 =	vperm.xlane v3, v2;
	_ =	sdelay $0x1  }
0x85: {  	v3 =	vadd.s32 v1, v3  }
0x86: {  	[hbm4b:s3+s2] =	stream.indirect_vreg.scatter [tilespmem:s19], [sflag:$0x2], $0x80, v4, vm0, $0xb8;
	[tilespmem:$0x6100] =	vst v63  }
0x87: {  	_ = 	snop  }
0x88: {  	[hbm4b:s7+s2] =	stream.indirect_vreg.scatter [tilespmem:s20], [sflag:$0x2], $0x80, v4, vm1, $0xb8;
	[tilespmem:$0x6100] =	vst v63  }
0x89: {  	_ = 	snop  }
0x8a: {  	[hbm4b:s3+s2] =	stream.indirect_vreg.scatter [tilespmem:s21], [sflag:$0x2], $0x80, v3, vm0, $0xb8;
	[tilespmem:$0x6100] =	vst v63  }
0x8b: {  	_ = 	snop  }
0x8c: {  	[hbm4b:s7+s2] =	stream.indirect_vreg.scatter [tilespmem:s22], [sflag:$0x2], $0x80, v3, vm1, $0xb8;
	[tilespmem:$0x6100] =	vst v63  }
0x8d: {  	v3 =	vld [tilespmem:$0xB0];
	_ =	sdelay $0x4  }
0x8e: {  	v63 =	vshrl.u32 v3, $0x3  }
0x8f: {  	v4 =	vmul.u32 $0x18, v63  }
0x90: {  	v3 =	vand.u32 $0x7, v3  }
0x91: {  	v3 =	vor.u32 v3, v4  }
0x92: {  	v4 =	vperm.xlane v3, v0;
	_ =	sdelay $0x1  }
0x93: {  	v4 =	vadd.s32 v1, v4;
	_ =	sdelay $0x1  }
0x94: {  	v3 =	vperm.xlane v3, v2;
	_ =	sdelay $0x1  }
0x95: {  	v3 =	vadd.s32 v1, v3  }
0x96: {  	[hbm4b:s3+s2] =	stream.indirect_vreg.scatter [tilespmem:s23], [sflag:$0x2], $0x80, v4, vm0, $0xb8;
	[tilespmem:$0x6100] =	vst v63  }
0x97: {  	_ = 	snop  }
0x98: {  	[hbm4b:s7+s2] =	stream.indirect_vreg.scatter [tilespmem:s24], [sflag:$0x2], $0x80, v4, vm1, $0xb8;
	[tilespmem:$0x6100] =	vst v63  }
0x99: {  	_ = 	snop  }
0x9a: {  	[hbm4b:s3+s2] =	stream.indirect_vreg.scatter [tilespmem:s25], [sflag:$0x2], $0x80, v3, vm0, $0xb8;
	[tilespmem:$0x6100] =	vst v63  }
0x9b: {  	_ = 	snop  }
0x9c: {  	[hbm4b:s7+s2] =	stream.indirect_vreg.scatter [tilespmem:s26], [sflag:$0x2], $0x80, v3, vm1, $0xb8;
	[tilespmem:$0x6100] =	vst v63  }
0x9d: {  	p0 =	sne.s32 s8, $0x1;
	_ =	swait.ge [sflag:s28], $0x6000  }
.Ltmp0:
0x9e: {  	[sflag:s28] =	ssyncset.done $0x0;
	(pc) =	sbr.rel @p0 .LBB2_1-.Ltmp0, $4  }
0x9f: {  	[sflag:s28] =	ssyncadd.s32 $0xFFFFA000  }
0xa0: {  	_ =	swait.ge [sflag:s29], $0x6000  }
0xa1: {  	[sflag:s29] =	ssyncset.done $0x0  }
0xa2: {  	s8 =	sadd.s32 $0xFFFFFFFF, s8;
	[sflag:s29] =	ssyncadd.s32 $0xFFFFA000  }
0xa3: {  	_ =	sfence.sel $0x180000  }
0xa4: {  	[bflag:$0x0] =	sbarrier.arrive $0xFFFF  }
0xa5: {  	p0 =	sne.s32 s1, $0x0;
	_ =	strace $0x90000047  }
0xa6: {  	s0 =	sadd.s32 @!p0 $0x100000, s0;
	[bflag:$0x2] =	sbarrier.arrive $0xFFFF  }
0xa7: {  	[sflag:s0] =	ssyncadd.tile.s32 @!p0 $0x1;
	_ =	shalt  }
.Lfunc_end2:
_tile_overlayer_lowered:
.L_overlay_start_2:
0xa8: {  	(tag) =	ssettag $0x2  }
0xa9: {  	s0 =	rddreg [dreg:$0x0];
	s2 =	stileid.u32  }
0xaa: {  	s1 =	rddreg [dreg:$0x1];
	p0 =	sne.s32 s2, $0x0  }
0xab: {  	s3 =	rddreg [dreg:$0x2];
	[bflag:$0x3] =	sbarrier.arrive $0xFFFF;
	s2 =	simm.s32 @!p0 $0x1C03  }
0xac: {  	[timem:s3], [sflag:s2] =	dma.local @!p0 [hbm:s0], s1  }
0xad: {  	s0 =	simm.s32 @!p0 $0x3  }
0xae: {  	_ =	swait.ge @!p0 [sflag:s0], s1  }
0xaf: {  	s1 =	ssub.s32 @!p0 $0x0, s1;
	[sflag:s0] =	ssyncset.done @!p0 $0x0  }
0xb0: {  	[sflag:s0] =	ssyncadd.s32 @!p0 s1  }
0xb1: {  	[bflag:$0x3] =	sbarrier.arrive $0xFFFF  }
0xb2: {  	_ =	shalt  }

</sc_bundles>
